<compile_context>
chip_gen: v7x
topology: tpu7x:2x2x1
jax: 0.10.2.dev20260603
libtpu: 0.0.44.dev20260713+nightly
codegen_flags: <defaults>
</compile_context>

<pallas_src>
import functools

import jax
import jax.numpy as jnp
from jax import lax
from jax.experimental import pallas as pl
from jax.experimental.pallas import tpu as pltpu
from jax.experimental.pallas import tpu_sc as plsc

TOP_K = 9
FREQ_Q = 0.1
FREQ_V = 1.0
PI = 3.141592653589793
TWO_PI = 2.0 * PI
IDX_PAD = 16

QB = 1024
NB = 256


def _topk_body(x_ref, pT_ref, out_ref):
    qb = x_ref.shape[1]
    L = pT_ref.shape[2]
    xb = x_ref[0]
    acc = None
    for d in range(x_ref.shape[2]):
        xd = xb[:, d:d + 1]
        pd = pT_ref[0, d:d + 1, :]
        diff = xd - pd
        acc = diff * diff if acc is None else acc + diff * diff
    acc = jnp.sqrt(acc)
    iotaf = lax.broadcasted_iota(jnp.int32, (qb, L), 1).astype(jnp.float32)
    big = jnp.float32(3.0e38)
    bigi = jnp.float32(L)
    cols = []
    for j in range(TOP_K):
        m = jnp.min(acc, axis=1, keepdims=True)
        idxf = jnp.min(jnp.where(acc == m, iotaf, bigi), axis=1, keepdims=True)
        cols.append(idxf)
        acc = jnp.where(iotaf == idxf, big, acc)
    cols += [jnp.zeros((qb, 1), jnp.float32)] * (IDX_PAD - TOP_K)
    idx = jnp.concatenate(cols, axis=1).astype(jnp.int32)
    out_ref[...] = idx.T


def _mm(a, w):
    return jax.lax.dot_general(a, w, (((1,), (0,)), ((), ())),
                               preferred_element_type=jnp.float32)


_RND = 12582912.0
_PI_HI = 3.140625
_PI_LO = 9.67653589793e-4


def _sin(x):
    t = x * (1.0 / PI)
    nf = jnp.floor(t + 0.5)
    r = (x - nf * _PI_HI) - nf * _PI_LO
    odd = jnp.floor(nf * 0.5) * 2.0 != nf
    r2 = r * r
    p = -2.5052108385441718e-08
    p = p * r2 + 2.7557319223985893e-06
    p = p * r2 - 1.9841269841269841e-04
    p = p * r2 + 8.3333333333333333e-03
    p = p * r2 - 1.6666666666666666e-01
    s = r + r * (r2 * p)
    return jnp.where(odd, -s, s)


def _ln_mm(x, m_ref, eps=1e-6):
    mu = _mm(x, m_ref[...])
    xc = x - mu
    var = _mm(xc * xc, m_ref[...])
    return xc * lax.rsqrt(var + eps)


def _gelu2(x):
    c = 0.7978845608028654
    t = jnp.tanh(c * (x + 0.044715 * (x * x * x)))
    return x + x * t


def _dense_body(g_ref, x_ref, xh_ref, fqv_ref, ph_ref,
                W1bd_ref, b1c_ref, W2bd_ref, b2c_ref,
                Wq_ref, bq_ref, Wk_ref, bk_ref,
                Wc1_ref, bc1_ref, Wc2_ref, bc2_ref,
                Wf1_ref, bf1_ref, Wf2_ref, bf2_ref,
                Wm1bd_ref, bm1t_ref, Wm2bd_ref, bm2t_ref,
                Wo_ref, bo_ref, atts_ref, ex_ref, m64_ref, m128_ref, out_ref):
    K, nb, _ = g_ref.shape
    H = Wc1_ref.shape[0]
    HH = Wq_ref.shape[1]
    NH = HH // H
    R = K * nb
    scale = 1.0 / (H ** 0.5)

    g = g_ref[...].reshape(R, g_ref.shape[2])
    cg = g[:, :H]
    pg = g[:, H:H + 3]
    xt = jnp.concatenate([x_ref[...]] * K, axis=0)
    inv = xt - pg

    proj = None
    for d in range(3):
        t = inv[:, d:d + 1] * fqv_ref[d:d + 1, :]
        proj = t if proj is None else proj + t
    hs = _sin(proj + ph_ref[...])
    h1 = _gelu2(_mm(hs, W1bd_ref[...]) + b1c_ref[...])
    emb = _mm(h1, W2bd_ref[...]) + b2c_ref[...]
    embq = emb[:, :H]
    embv = emb[:, H:]

    q = _mm(embq, Wq_ref[...]) + bq_ref[...]
    kv = _mm(cg, Wk_ref[...]) + bk_ref[...]
    k = kv[:, :HH]
    v = kv[:, HH:]

    xh = xh_ref[...]
    hc = _gelu2(_mm(xh, Wc1_ref[...]) + bc1_ref[...])
    hc = _ln_mm(hc, m64_ref)
    gb = _mm(hc, Wc2_ref[...]) + bc2_ref[...]
    gamma_t = jnp.concatenate([gb[:, :H]] * K, axis=0)
    beta_t = jnp.concatenate([gb[:, H:]] * K, axis=0)
    embv = embv * (1.0 + gamma_t) + beta_t

    hf = _gelu2(_mm(embv, Wf1_ref[...]) + bf1_ref[...])
    hf = _ln_mm(hf, m64_ref)
    vgb = _mm(hf, Wf2_ref[...]) + bf2_ref[...]
    v = v * (1.0 + vgb[:, :HH]) + vgb[:, HH:]

    prod = q * k
    att = _mm(prod, atts_ref[...]) * scale
    aks = [att[kk * nb:(kk + 1) * nb] for kk in range(K)]
    mx = aks[0]
    for kk in range(1, K):
        mx = jnp.maximum(mx, aks[kk])
    es = [jnp.exp(a - mx) for a in aks]
    s = es[0]
    for kk in range(1, K):
        s = s + es[kk]
    rin = 1.0 / s
    w_all = jnp.concatenate([e * rin for e in es], axis=0)
    w512 = _mm(w_all, ex_ref[...])

    vparts = []
    for hp in range(NH // 4):
        sl = slice(hp * 4 * H, (hp + 1) * 4 * H)
        vp = _gelu2(_mm(v[:, sl], Wm1bd_ref[...]) + bm1t_ref[...])
        vp = _ln_mm(vp, m128_ref)
        vp = _mm(vp, Wm2bd_ref[...]) + bm2t_ref[...]
        vparts.append(vp)
    vf = jnp.concatenate(vparts, axis=1)

    yw = w512 * vf
    y = yw[:nb]
    for kk in range(1, K):
        y = y + yw[kk * nb:(kk + 1) * nb]
    out_ref[...] = _mm(y, Wo_ref[...]) + bo_ref[...]


def _sc_gather(table, idx_flat):
    M = idx_flat.shape[0]
    W = table.shape[1]
    NC, NS = 2, 16
    NW = NC * NS
    per_w = M // NW
    CH = next(ch for ch in (128, 96, 64, 32, 16, 8) if per_w % ch == 0)
    n_ch = per_w // CH
    mesh = plsc.VectorSubcoreMesh(core_axis_name="c", subcore_axis_name="s")

    @functools.partial(
        pl.kernel, mesh=mesh,
        out_type=jax.ShapeDtypeStruct((M, W), jnp.float32),
        scratch_types=[
            pltpu.VMEM((per_w,), jnp.int32),
            pltpu.VMEM((per_w, W), jnp.float32),
            pltpu.SemaphoreType.DMA,
        ],
    )
    def gk(t_hbm, i_hbm, o_hbm, idx_v, rows_v, sg):
        wid = lax.axis_index("s") * NC + lax.axis_index("c")
        base_w = wid * per_w
        pltpu.sync_copy(i_hbm.at[pl.ds(base_w, per_w)], idx_v)
        copies = []
        for j in range(n_ch):
            copies.append(pltpu.async_copy(
                t_hbm.at[idx_v.at[pl.ds(j * CH, CH)]],
                rows_v.at[pl.ds(j * CH, CH)], sg))
        for cp in copies:
            cp.wait()
        pltpu.sync_copy(rows_v, o_hbm.at[pl.ds(base_w, per_w)])

    return gk(table, idx_flat)


def _blkdiag(a, b):
    z1 = jnp.zeros((a.shape[0], b.shape[1]), jnp.float32)
    z2 = jnp.zeros((b.shape[0], a.shape[1]), jnp.float32)
    return jnp.concatenate(
        [jnp.concatenate([a, z1], axis=1), jnp.concatenate([z2, b], axis=1)],
        axis=0)


def kernel(x, p, c, x_h, freqs_q, freqs_v, Wq1, bq1, Wq2, bq2, Wv1e, bv1e, Wv2e, bv2e, Wq, bq, Wk, bk, Wv, bv, Wc1, bc1, gc, bcl, Wc2, bc2, Wf1, bf1, gf, bfl, Wf2, bf2, Wm1, bm1, gm, bml, Wm2, bm2, Wo, bo):
    B, N, D = x.shape
    L = p.shape[1]
    H = c.shape[2]
    HH = Wq.shape[1]
    NH = HH // H
    BN = B * N

    pT = jnp.swapaxes(p, 1, 2)
    nqb = N // QB

    def topk_b(xb, pTb):
        return pl.pallas_call(
            _topk_body,
            grid=(1, nqb),
            in_specs=[
                pl.BlockSpec((1, QB, D), lambda b, i: (b, i, 0)),
                pl.BlockSpec((1, D, L), lambda b, i: (b, 0, 0)),
            ],
            out_specs=pl.BlockSpec((IDX_PAD, QB), lambda b, i: (0, i)),
            out_shape=jax.ShapeDtypeStruct((IDX_PAD, N), jnp.int32),
        )(xb, pTb)

    idxs = [topk_b(x[b:b + 1], pT[b:b + 1]) for b in range(B)]

    GW = 128
    zpad = jnp.zeros((L, GW - H - D), jnp.float32)
    Gs = [_sc_gather(
        jnp.concatenate([c[b], p[b], zpad], axis=1),
        idxs[b][:TOP_K].reshape(-1)) for b in range(B)]

    row = lambda a: a.reshape(1, -1)
    full = lambda arr: pl.BlockSpec(arr.shape, lambda i: (0,) * arr.ndim)

    fq2 = (TWO_PI * FREQ_Q) * jnp.concatenate([freqs_q, freqs_q], axis=1)
    fv2 = (TWO_PI * FREQ_V) * jnp.concatenate([freqs_v, freqs_v], axis=1)
    fqv = jnp.concatenate([fq2, fv2], axis=1)
    nhalf = freqs_q.shape[1]
    ph1 = jnp.concatenate([jnp.zeros((1, nhalf), jnp.float32),
                           jnp.full((1, nhalf), 0.5 * PI, jnp.float32)], axis=1)
    ph2 = jnp.concatenate([ph1, ph1], axis=1)
    W1bd = _blkdiag(Wq1, Wv1e)
    b1c = row(jnp.concatenate([bq1, bv1e]))
    W2bd = 0.5 * _blkdiag(Wq2, Wv2e)
    b2c = row(jnp.concatenate([bq2, bv2e]))
    Wm2g = gm[:, None] * Wm2
    bm2g = bml @ Wm2 + bm2
    Wm1bd = _blkdiag(_blkdiag(Wm1, Wm1), _blkdiag(Wm1, Wm1))
    Wm2bd = _blkdiag(_blkdiag(Wm2g, Wm2g), _blkdiag(Wm2g, Wm2g))
    bm1t = row(jnp.concatenate([bm1] * 4))
    bm2t = row(jnp.concatenate([bm2g] * 4))
    atts = jnp.kron(jnp.eye(NH, dtype=jnp.float32),
                    jnp.ones((H, 1), jnp.float32))
    ex = jnp.kron(jnp.eye(NH, dtype=jnp.float32),
                  jnp.ones((1, H), jnp.float32))
    m64 = jnp.full((H, H), 1.0 / H, jnp.float32)
    m128 = _blkdiag(_blkdiag(m64, m64), _blkdiag(m64, m64))

    weights = [fqv, ph2,
               W1bd, b1c, W2bd, b2c,
               Wq, row(bq),
               jnp.concatenate([Wk, Wv], axis=1),
               row(jnp.concatenate([bk, bv])),
               Wc1, row(bc1), gc[:, None] * Wc2, row(bcl @ Wc2 + bc2),
               Wf1, row(bf1), gf[:, None] * Wf2, row(bfl @ Wf2 + bf2),
               Wm1bd, bm1t, Wm2bd, bm2t,
               Wo, row(bo), atts, ex, m64, m128]
    def dense_b(G3b, xb, xhb):
        return pl.pallas_call(
            _dense_body,
            grid=(N // NB,),
            in_specs=[
                pl.BlockSpec((TOP_K, NB, GW), lambda i: (0, i, 0)),
                pl.BlockSpec((NB, D), lambda i: (i, 0)),
                pl.BlockSpec((NB, H), lambda i: (i, 0)),
            ] + [full(a) for a in weights],
            out_specs=pl.BlockSpec((NB, H), lambda i: (i, 0)),
            out_shape=jax.ShapeDtypeStruct((N, H), jnp.float32),
        )(G3b, xb, xhb, *weights)

    outs = [dense_b(Gs[b].reshape(TOP_K, N, GW), x[b], x_h[b])
            for b in range(B)]
    return jnp.stack(outs, axis=0)

# --- scband reference (transcript-rebuilt; emitter-appended) ---
"""Pipeline reference for scband-equivariant-cross-attention-38663295598614 (READ-ONLY COPY).

The authoritative reference and input builder live on the scoring server;
editing this copy changes nothing except your own understanding.
"""

import jax, jax.numpy as jnp
import numpy as np

B, N, L, D = 2, 2048, 1024, 3
H = 64
NH = 8
HH = NH * H
TOP_K = 9
FREQ_Q = 0.1
FREQ_V = 1.0
TWO_PI = 2.0 * np.pi
SCALE = 1.0 / np.sqrt(H)


def _ln(x, g, b, eps=1e-6):
    m = jnp.mean(x, axis=-1, keepdims=True)
    v = jnp.var(x, axis=-1, keepdims=True)
    return (x - m) / jnp.sqrt(v + eps) * g + b


def _ffn(x, W1, b1, g, bl, W2, b2):
    h = jax.nn.gelu(x @ W1 + b1)
    h = _ln(h, g, bl)
    return h @ W2 + b2


def _emb(inv, freqs, mult, W1, b1, W2, b2):
    proj = TWO_PI * mult * (inv @ freqs)
    h = jnp.concatenate([jnp.sin(proj), jnp.cos(proj)], axis=-1)
    h = jax.nn.gelu(h @ W1 + b1)
    return h @ W2 + b2


def _forward(d):
    x, p, c, x_h = d["x"], d["p"], d["c"], d["x_h"]
    diff = x[:, :, None, :] - p[:, None, :, :]  # (B,N,L,D)
    inv = diff  # relative-position invariant, invariant.dim = D
    dist = jnp.linalg.norm(diff, axis=-1)  # (B,N,L)
    nearest = jnp.argsort(dist, axis=-1)[:, :, :TOP_K]  # (B,N,K)
    inv = jnp.take_along_axis(inv, jnp.broadcast_to(nearest[..., None], (B, N, TOP_K, D)), axis=2)
    cg = jnp.take_along_axis(c[:, None, :, :], nearest[..., None], axis=2)  # (B,N,K,H)
    inv_emb_q = _emb(inv, d["freqs_q"], FREQ_Q, d["Wq1"], d["bq1"], d["Wq2"], d["bq2"])
    q = inv_emb_q @ d["Wq"] + d["bq"]
    k = cg @ d["Wk"] + d["bk"]
    v = cg @ d["Wv"] + d["bv"]
    # condition_value_transform + condition_invariant_embedding
    inv_emb_v = _emb(inv, d["freqs_v"], FREQ_V, d["Wv1e"], d["bv1e"], d["Wv2e"], d["bv2e"])
    gb = _ffn(x_h, d["Wc1"], d["bc1"], d["gc"], d["bcl"], d["Wc2"], d["bc2"])
    gamma, beta = jnp.split(gb, 2, axis=-1)
    inv_emb_v = inv_emb_v * (1 + gamma[:, :, None, :]) + beta[:, :, None, :]
    vgb = _ffn(inv_emb_v, d["Wf1"], d["bf1"], d["gf"], d["bfl"], d["Wf2"], d["bf2"])
    vg, vb = jnp.split(vgb, 2, axis=-1)
    v = v * (1 + vg) + vb
    v = v.reshape(v.shape[:-1] + (NH, H))
    v = _ffn(v, d["Wm1"], d["bm1"], d["gm"], d["bml"], d["Wm2"], d["bm2"])
    q = q.reshape(q.shape[:-1] + (NH, H))
    k = k.reshape(k.shape[:-1] + (NH, H))
    att = (q * k).sum(axis=-1) * SCALE  # (B,N,K,NH)
    att = jax.nn.softmax(att, axis=-2)
    y = (att[..., None] * v).sum(axis=2)  # (B,N,NH,H)
    y = y.reshape(y.shape[0], y.shape[1], HH)
    return y @ d["Wo"] + d["bo"]


def setup_inputs(seed: int = 0) -> dict:
    key = jax.random.key(seed)
    ks = jax.random.split(key, 24)

    def w(k, di, do):
        return (jax.random.normal(k, (di, do), jnp.float32) / np.sqrt(di)).astype(jnp.float32)

    z = lambda n: jnp.zeros((n,), jnp.float32)
    o = lambda n: jnp.ones((n,), jnp.float32)
    inp = {
        "x": jax.random.normal(ks[0], (B, N, D), jnp.float32),
        "p": jax.random.normal(ks[1], (B, L, D), jnp.float32),
        "c": jax.random.normal(ks[2], (B, L, H), jnp.float32),
        "x_h": jax.random.normal(ks[3], (B, N, H), jnp.float32),
        "freqs_q": jax.random.normal(ks[4], (D, H // 2), jnp.float32),
        "freqs_v": jax.random.normal(ks[5], (D, H // 2), jnp.float32),
        "Wq1": w(ks[6], H, H), "bq1": z(H), "Wq2": w(ks[7], H, H), "bq2": z(H),
        "Wv1e": w(ks[8], H, H), "bv1e": z(H), "Wv2e": w(ks[9], H, H), "bv2e": z(H),
        "Wq": w(ks[10], H, HH), "bq": z(HH),
        "Wk": w(ks[11], H, HH), "bk": z(HH),
        "Wv": w(ks[12], H, HH), "bv": z(HH),
        "Wc1": w(ks[13], H, H), "bc1": z(H), "gc": o(H), "bcl": z(H),
        "Wc2": w(ks[14], H, 2 * H), "bc2": z(2 * H),
        "Wf1": w(ks[15], H, H), "bf1": z(H), "gf": o(H), "bfl": z(H),
        "Wf2": w(ks[16], H, 2 * HH), "bf2": z(2 * HH),
        "Wm1": w(ks[17], H, H), "bm1": z(H), "gm": o(H), "bml": z(H),
        "Wm2": w(ks[18], H, H), "bm2": z(H),
        "Wo": w(ks[19], HH, H), "bo": z(H),
    }
    return inp


def reference(x, p, c, x_h, freqs_q, freqs_v,
              Wq1, bq1, Wq2, bq2,
              Wv1e, bv1e, Wv2e, bv2e,
              Wq, bq, Wk, bk, Wv, bv,
              Wc1, bc1, gc, bcl, Wc2, bc2,
              Wf1, bf1, gf, bfl, Wf2, bf2,
              Wm1, bm1, gm, bml, Wm2, bm2,
              Wo, bo):
    return _forward(dict(locals()))

if __name__ == "__main__":
    import jax
    _d = setup_inputs()
    print(jax.jit(kernel)(*tuple(_d.values())))

</pallas_src>

<mosaic_0001>
#map = affine_map<(d0, d1) -> (0, 0)>
#map1 = affine_map<(d0, d1) -> (0)>
module attributes {stable_mosaic.version = 14 : i64} {
  func.func @gk(%arg0: i32, %arg1: i32, %arg2: memref<1024x128xf32, #tpu.memory_space<hbm>>, %arg3: memref<18432xi32, #tpu.memory_space<hbm>>, %arg4: memref<18432x128xf32, #tpu.memory_space<hbm>>, %arg5: memref<576xi32, #tpu.memory_space<vmem>>, %arg6: memref<576x128xf32, #tpu.memory_space<vmem>>, %arg7: memref<!tpu.dma_semaphore, #tpu.memory_space<semaphore_mem>>) attributes {dimension_semantics = [#tpu.dimension_semantics<core_parallel>, #tpu.dimension_semantics<subcore_parallel>], iteration_bounds = array<i64: 2, 16>, scalar_prefetch = 0 : i64, scratch_operands = 3 : i64, tpu.core_type = #tpu.core_type<sc_vector_subcore>, window_params = [{transform_indices = #map}, {transform_indices = #map1}, {transform_indices = #map}]} {
    %mul3A = arith.constant 2 : i32
    %mul3A_0 = arith.muli %arg1, %mul3A : i32
    %add3A = arith.addi %mul3A_0, %arg0 : i32
    %mul3A_1 = arith.constant 576 : i32
    %mul3A_2 = arith.muli %add3A, %mul3A_1 : i32
    "tpu.region"() ({
      %run_scoped3A = tpu.sem_alloc : memref<!tpu.dma_semaphore, #tpu.memory_space<semaphore_mem>>
      %dma_start3A_97 = tpu.memref_slice %arg3[%mul3A_2] : memref<18432xi32, #tpu.memory_space<hbm>> -> memref<576xi32, #tpu.memory_space<hbm>>
      %dma_start3A_98 = tpu.memref_slice %arg3[%mul3A_2] : memref<18432xi32, #tpu.memory_space<hbm>> -> memref<576xi32, #tpu.memory_space<hbm>>
      tpu.enqueue_dma source(%dma_start3A_98 : memref<576xi32, #tpu.memory_space<hbm>>) target(%arg5 : memref<576xi32, #tpu.memory_space<vmem>>) target_semaphore(%run_scoped3A : memref<!tpu.dma_semaphore, #tpu.memory_space<semaphore_mem>>)
      %dma_wait3A_99 = tpu.memref_slice %arg3[%mul3A_2] : memref<18432xi32, #tpu.memory_space<hbm>> -> memref<576xi32, #tpu.memory_space<hbm>>
      %dma_wait3A_100 = tpu.memref_slice %arg3[%mul3A_2] : memref<18432xi32, #tpu.memory_space<hbm>> -> memref<576xi32, #tpu.memory_space<hbm>>
      tpu.wait_dma2 semaphore(%run_scoped3A : memref<!tpu.dma_semaphore, #tpu.memory_space<semaphore_mem>>) src(%dma_wait3A_100 : memref<576xi32, #tpu.memory_space<hbm>>) dst(%arg5 : memref<576xi32, #tpu.memory_space<vmem>>)
      tpu.yield
    }) : () -> ()
    %dma_start3A = arith.constant 0 : i32
    %dma_start3A_3 = arith.constant 0 : i32
    %dma_start3A_4 = tpu.memref_slice %arg6[%dma_start3A, %dma_start3A_3] : memref<576x128xf32, #tpu.memory_space<vmem>> -> memref<96x128xf32, #tpu.memory_space<vmem>>
    %dma_start3A_5 = arith.constant 0 : i32
    %dma_start3A_6 = tpu.memref_slice %arg5[%dma_start3A_5] : memref<576xi32, #tpu.memory_space<vmem>> -> memref<96xi32, #tpu.memory_space<vmem>>
    %dma_start3A_7 = arith.constant 0 : i32
    %dma_start3A_8 = arith.constant 0 : i32
    %dma_start3A_9 = tpu.memref_slice %arg2[%dma_start3A_7, %dma_start3A_8] : memref<1024x128xf32, #tpu.memory_space<hbm>> -> memref<1024x128xf32, #tpu.memory_space<hbm>>
    tpu.enqueue_indirect_dma source(%dma_start3A_9 : memref<1024x128xf32, #tpu.memory_space<hbm>>) target(%dma_start3A_4 : memref<96x128xf32, #tpu.memory_space<vmem>>) offsets(%dma_start3A_6 : memref<96xi32, #tpu.memory_space<vmem>>) semaphore(%arg7 : memref<!tpu.dma_semaphore, #tpu.memory_space<semaphore_mem>>)
    %dma_start3A_10 = arith.constant 96 : i32
    %dma_start3A_11 = arith.constant 0 : i32
    %dma_start3A_12 = tpu.memref_slice %arg6[%dma_start3A_10, %dma_start3A_11] : memref<576x128xf32, #tpu.memory_space<vmem>> -> memref<96x128xf32, #tpu.memory_space<vmem>>
    %dma_start3A_13 = arith.constant 96 : i32
    %dma_start3A_14 = tpu.memref_slice %arg5[%dma_start3A_13] : memref<576xi32, #tpu.memory_space<vmem>> -> memref<96xi32, #tpu.memory_space<vmem>>
    %dma_start3A_15 = arith.constant 0 : i32
    %dma_start3A_16 = arith.constant 0 : i32
    %dma_start3A_17 = tpu.memref_slice %arg2[%dma_start3A_15, %dma_start3A_16] : memref<1024x128xf32, #tpu.memory_space<hbm>> -> memref<1024x128xf32, #tpu.memory_space<hbm>>
    tpu.enqueue_indirect_dma source(%dma_start3A_17 : memref<1024x128xf32, #tpu.memory_space<hbm>>) target(%dma_start3A_12 : memref<96x128xf32, #tpu.memory_space<vmem>>) offsets(%dma_start3A_14 : memref<96xi32, #tpu.memory_space<vmem>>) semaphore(%arg7 : memref<!tpu.dma_semaphore, #tpu.memory_space<semaphore_mem>>)
    %dma_start3A_18 = arith.constant 192 : i32
    %dma_start3A_19 = arith.constant 0 : i32
    %dma_start3A_20 = tpu.memref_slice %arg6[%dma_start3A_18, %dma_start3A_19] : memref<576x128xf32, #tpu.memory_space<vmem>> -> memref<96x128xf32, #tpu.memory_space<vmem>>
    %dma_start3A_21 = arith.constant 192 : i32
    %dma_start3A_22 = tpu.memref_slice %arg5[%dma_start3A_21] : memref<576xi32, #tpu.memory_space<vmem>> -> memref<96xi32, #tpu.memory_space<vmem>>
    %dma_start3A_23 = arith.constant 0 : i32
    %dma_start3A_24 = arith.constant 0 : i32
    %dma_start3A_25 = tpu.memref_slice %arg2[%dma_start3A_23, %dma_start3A_24] : memref<1024x128xf32, #tpu.memory_space<hbm>> -> memref<1024x128xf32, #tpu.memory_space<hbm>>
    tpu.enqueue_indirect_dma source(%dma_start3A_25 : memref<1024x128xf32, #tpu.memory_space<hbm>>) target(%dma_start3A_20 : memref<96x128xf32, #tpu.memory_space<vmem>>) offsets(%dma_start3A_22 : memref<96xi32, #tpu.memory_space<vmem>>) semaphore(%arg7 : memref<!tpu.dma_semaphore, #tpu.memory_space<semaphore_mem>>)
    %dma_start3A_26 = arith.constant 288 : i32
    %dma_start3A_27 = arith.constant 0 : i32
    %dma_start3A_28 = tpu.memref_slice %arg6[%dma_start3A_26, %dma_start3A_27] : memref<576x128xf32, #tpu.memory_space<vmem>> -> memref<96x128xf32, #tpu.memory_space<vmem>>
    %dma_start3A_29 = arith.constant 288 : i32
    %dma_start3A_30 = tpu.memref_slice %arg5[%dma_start3A_29] : memref<576xi32, #tpu.memory_space<vmem>> -> memref<96xi32, #tpu.memory_space<vmem>>
    %dma_start3A_31 = arith.constant 0 : i32
    %dma_start3A_32 = arith.constant 0 : i32
    %dma_start3A_33 = tpu.memref_slice %arg2[%dma_start3A_31, %dma_start3A_32] : memref<1024x128xf32, #tpu.memory_space<hbm>> -> memref<1024x128xf32, #tpu.memory_space<hbm>>
    tpu.enqueue_indirect_dma source(%dma_start3A_33 : memref<1024x128xf32, #tpu.memory_space<hbm>>) target(%dma_start3A_28 : memref<96x128xf32, #tpu.memory_space<vmem>>) offsets(%dma_start3A_30 : memref<96xi32, #tpu.memory_space<vmem>>) semaphore(%arg7 : memref<!tpu.dma_semaphore, #tpu.memory_space<semaphore_mem>>)
    %dma_start3A_34 = arith.constant 384 : i32
    %dma_start3A_35 = arith.constant 0 : i32
    %dma_start3A_36 = tpu.memref_slice %arg6[%dma_start3A_34, %dma_start3A_35] : memref<576x128xf32, #tpu.memory_space<vmem>> -> memref<96x128xf32, #tpu.memory_space<vmem>>
    %dma_start3A_37 = arith.constant 384 : i32
    %dma_start3A_38 = tpu.memref_slice %arg5[%dma_start3A_37] : memref<576xi32, #tpu.memory_space<vmem>> -> memref<96xi32, #tpu.memory_space<vmem>>
    %dma_start3A_39 = arith.constant 0 : i32
    %dma_start3A_40 = arith.constant 0 : i32
    %dma_start3A_41 = tpu.memref_slice %arg2[%dma_start3A_39, %dma_start3A_40] : memref<1024x128xf32, #tpu.memory_space<hbm>> -> memref<1024x128xf32, #tpu.memory_space<hbm>>
    tpu.enqueue_indirect_dma source(%dma_start3A_41 : memref<1024x128xf32, #tpu.memory_space<hbm>>) target(%dma_start3A_36 : memref<96x128xf32, #tpu.memory_space<vmem>>) offsets(%dma_start3A_38 : memref<96xi32, #tpu.memory_space<vmem>>) semaphore(%arg7 : memref<!tpu.dma_semaphore, #tpu.memory_space<semaphore_mem>>)
    %dma_start3A_42 = arith.constant 480 : i32
    %dma_start3A_43 = arith.constant 0 : i32
    %dma_start3A_44 = tpu.memref_slice %arg6[%dma_start3A_42, %dma_start3A_43] : memref<576x128xf32, #tpu.memory_space<vmem>> -> memref<96x128xf32, #tpu.memory_space<vmem>>
    %dma_start3A_45 = arith.constant 480 : i32
    %dma_start3A_46 = tpu.memref_slice %arg5[%dma_start3A_45] : memref<576xi32, #tpu.memory_space<vmem>> -> memref<96xi32, #tpu.memory_space<vmem>>
    %dma_start3A_47 = arith.constant 0 : i32
    %dma_start3A_48 = arith.constant 0 : i32
    %dma_start3A_49 = tpu.memref_slice %arg2[%dma_start3A_47, %dma_start3A_48] : memref<1024x128xf32, #tpu.memory_space<hbm>> -> memref<1024x128xf32, #tpu.memory_space<hbm>>
    tpu.enqueue_indirect_dma source(%dma_start3A_49 : memref<1024x128xf32, #tpu.memory_space<hbm>>) target(%dma_start3A_44 : memref<96x128xf32, #tpu.memory_space<vmem>>) offsets(%dma_start3A_46 : memref<96xi32, #tpu.memory_space<vmem>>) semaphore(%arg7 : memref<!tpu.dma_semaphore, #tpu.memory_space<semaphore_mem>>)
    %dma_wait3A = arith.constant 0 : i32
    %dma_wait3A_50 = arith.constant 0 : i32
    %dma_wait3A_51 = tpu.memref_slice %arg6[%dma_wait3A, %dma_wait3A_50] : memref<576x128xf32, #tpu.memory_space<vmem>> -> memref<96x128xf32, #tpu.memory_space<vmem>>
    %dma_wait3A_52 = arith.constant 0 : i32
    %dma_wait3A_53 = tpu.memref_slice %arg5[%dma_wait3A_52] : memref<576xi32, #tpu.memory_space<vmem>> -> memref<96xi32, #tpu.memory_space<vmem>>
    %dma_wait3A_54 = arith.constant 0 : i32
    %dma_wait3A_55 = arith.constant 0 : i32
    %dma_wait3A_56 = tpu.memref_slice %arg2[%dma_wait3A_54, %dma_wait3A_55] : memref<1024x128xf32, #tpu.memory_space<hbm>> -> memref<1024x128xf32, #tpu.memory_space<hbm>>
    tpu.wait_indirect_dma semaphore(%arg7 : memref<!tpu.dma_semaphore, #tpu.memory_space<semaphore_mem>>) src(%dma_wait3A_56 : memref<1024x128xf32, #tpu.memory_space<hbm>>) dst(%dma_wait3A_51 : memref<96x128xf32, #tpu.memory_space<vmem>>)
    %dma_wait3A_57 = arith.constant 96 : i32
    %dma_wait3A_58 = arith.constant 0 : i32
    %dma_wait3A_59 = tpu.memref_slice %arg6[%dma_wait3A_57, %dma_wait3A_58] : memref<576x128xf32, #tpu.memory_space<vmem>> -> memref<96x128xf32, #tpu.memory_space<vmem>>
    %dma_wait3A_60 = arith.constant 96 : i32
    %dma_wait3A_61 = tpu.memref_slice %arg5[%dma_wait3A_60] : memref<576xi32, #tpu.memory_space<vmem>> -> memref<96xi32, #tpu.memory_space<vmem>>
    %dma_wait3A_62 = arith.constant 0 : i32
    %dma_wait3A_63 = arith.constant 0 : i32
    %dma_wait3A_64 = tpu.memref_slice %arg2[%dma_wait3A_62, %dma_wait3A_63] : memref<1024x128xf32, #tpu.memory_space<hbm>> -> memref<1024x128xf32, #tpu.memory_space<hbm>>
    tpu.wait_indirect_dma semaphore(%arg7 : memref<!tpu.dma_semaphore, #tpu.memory_space<semaphore_mem>>) src(%dma_wait3A_64 : memref<1024x128xf32, #tpu.memory_space<hbm>>) dst(%dma_wait3A_59 : memref<96x128xf32, #tpu.memory_space<vmem>>)
    %dma_wait3A_65 = arith.constant 192 : i32
    %dma_wait3A_66 = arith.constant 0 : i32
    %dma_wait3A_67 = tpu.memref_slice %arg6[%dma_wait3A_65, %dma_wait3A_66] : memref<576x128xf32, #tpu.memory_space<vmem>> -> memref<96x128xf32, #tpu.memory_space<vmem>>
    %dma_wait3A_68 = arith.constant 192 : i32
    %dma_wait3A_69 = tpu.memref_slice %arg5[%dma_wait3A_68] : memref<576xi32, #tpu.memory_space<vmem>> -> memref<96xi32, #tpu.memory_space<vmem>>
    %dma_wait3A_70 = arith.constant 0 : i32
    %dma_wait3A_71 = arith.constant 0 : i32
    %dma_wait3A_72 = tpu.memref_slice %arg2[%dma_wait3A_70, %dma_wait3A_71] : memref<1024x128xf32, #tpu.memory_space<hbm>> -> memref<1024x128xf32, #tpu.memory_space<hbm>>
    tpu.wait_indirect_dma semaphore(%arg7 : memref<!tpu.dma_semaphore, #tpu.memory_space<semaphore_mem>>) src(%dma_wait3A_72 : memref<1024x128xf32, #tpu.memory_space<hbm>>) dst(%dma_wait3A_67 : memref<96x128xf32, #tpu.memory_space<vmem>>)
    %dma_wait3A_73 = arith.constant 288 : i32
    %dma_wait3A_74 = arith.constant 0 : i32
    %dma_wait3A_75 = tpu.memref_slice %arg6[%dma_wait3A_73, %dma_wait3A_74] : memref<576x128xf32, #tpu.memory_space<vmem>> -> memref<96x128xf32, #tpu.memory_space<vmem>>
    %dma_wait3A_76 = arith.constant 288 : i32
    %dma_wait3A_77 = tpu.memref_slice %arg5[%dma_wait3A_76] : memref<576xi32, #tpu.memory_space<vmem>> -> memref<96xi32, #tpu.memory_space<vmem>>
    %dma_wait3A_78 = arith.constant 0 : i32
    %dma_wait3A_79 = arith.constant 0 : i32
    %dma_wait3A_80 = tpu.memref_slice %arg2[%dma_wait3A_78, %dma_wait3A_79] : memref<1024x128xf32, #tpu.memory_space<hbm>> -> memref<1024x128xf32, #tpu.memory_space<hbm>>
    tpu.wait_indirect_dma semaphore(%arg7 : memref<!tpu.dma_semaphore, #tpu.memory_space<semaphore_mem>>) src(%dma_wait3A_80 : memref<1024x128xf32, #tpu.memory_space<hbm>>) dst(%dma_wait3A_75 : memref<96x128xf32, #tpu.memory_space<vmem>>)
    %dma_wait3A_81 = arith.constant 384 : i32
    %dma_wait3A_82 = arith.constant 0 : i32
    %dma_wait3A_83 = tpu.memref_slice %arg6[%dma_wait3A_81, %dma_wait3A_82] : memref<576x128xf32, #tpu.memory_space<vmem>> -> memref<96x128xf32, #tpu.memory_space<vmem>>
    %dma_wait3A_84 = arith.constant 384 : i32
    %dma_wait3A_85 = tpu.memref_slice %arg5[%dma_wait3A_84] : memref<576xi32, #tpu.memory_space<vmem>> -> memref<96xi32, #tpu.memory_space<vmem>>
    %dma_wait3A_86 = arith.constant 0 : i32
    %dma_wait3A_87 = arith.constant 0 : i32
    %dma_wait3A_88 = tpu.memref_slice %arg2[%dma_wait3A_86, %dma_wait3A_87] : memref<1024x128xf32, #tpu.memory_space<hbm>> -> memref<1024x128xf32, #tpu.memory_space<hbm>>
    tpu.wait_indirect_dma semaphore(%arg7 : memref<!tpu.dma_semaphore, #tpu.memory_space<semaphore_mem>>) src(%dma_wait3A_88 : memref<1024x128xf32, #tpu.memory_space<hbm>>) dst(%dma_wait3A_83 : memref<96x128xf32, #tpu.memory_space<vmem>>)
    %dma_wait3A_89 = arith.constant 480 : i32
    %dma_wait3A_90 = arith.constant 0 : i32
    %dma_wait3A_91 = tpu.memref_slice %arg6[%dma_wait3A_89, %dma_wait3A_90] : memref<576x128xf32, #tpu.memory_space<vmem>> -> memref<96x128xf32, #tpu.memory_space<vmem>>
    %dma_wait3A_92 = arith.constant 480 : i32
    %dma_wait3A_93 = tpu.memref_slice %arg5[%dma_wait3A_92] : memref<576xi32, #tpu.memory_space<vmem>> -> memref<96xi32, #tpu.memory_space<vmem>>
    %dma_wait3A_94 = arith.constant 0 : i32
    %dma_wait3A_95 = arith.constant 0 : i32
    %dma_wait3A_96 = tpu.memref_slice %arg2[%dma_wait3A_94, %dma_wait3A_95] : memref<1024x128xf32, #tpu.memory_space<hbm>> -> memref<1024x128xf32, #tpu.memory_space<hbm>>
    tpu.wait_indirect_dma semaphore(%arg7 : memref<!tpu.dma_semaphore, #tpu.memory_space<semaphore_mem>>) src(%dma_wait3A_96 : memref<1024x128xf32, #tpu.memory_space<hbm>>) dst(%dma_wait3A_91 : memref<96x128xf32, #tpu.memory_space<vmem>>)
    "tpu.region"() ({
      %run_scoped3A = tpu.sem_alloc : memref<!tpu.dma_semaphore, #tpu.memory_space<semaphore_mem>>
      %dma_start3A_97 = arith.constant 0 : i32
      %dma_start3A_98 = tpu.memref_slice %arg4[%mul3A_2, %dma_start3A_97] : memref<18432x128xf32, #tpu.memory_space<hbm>> -> memref<576x128xf32, #tpu.memory_space<hbm>>
      %dma_start3A_99 = arith.constant 0 : i32
      %dma_start3A_100 = tpu.memref_slice %arg4[%mul3A_2, %dma_start3A_99] : memref<18432x128xf32, #tpu.memory_space<hbm>> -> memref<576x128xf32, #tpu.memory_space<hbm>>
      tpu.enqueue_dma source(%arg6 : memref<576x128xf32, #tpu.memory_space<vmem>>) target(%dma_start3A_100 : memref<576x128xf32, #tpu.memory_space<hbm>>) target_semaphore(%run_scoped3A : memref<!tpu.dma_semaphore, #tpu.memory_space<semaphore_mem>>)
      %dma_wait3A_101 = arith.constant 0 : i32
      %dma_wait3A_102 = tpu.memref_slice %arg4[%mul3A_2, %dma_wait3A_101] : memref<18432x128xf32, #tpu.memory_space<hbm>> -> memref<576x128xf32, #tpu.memory_space<hbm>>
      %dma_wait3A_103 = arith.constant 0 : i32
      %dma_wait3A_104 = tpu.memref_slice %arg4[%mul3A_2, %dma_wait3A_103] : memref<18432x128xf32, #tpu.memory_space<hbm>> -> memref<576x128xf32, #tpu.memory_space<hbm>>
      tpu.wait_dma2 semaphore(%run_scoped3A : memref<!tpu.dma_semaphore, #tpu.memory_space<semaphore_mem>>) src(%arg6 : memref<576x128xf32, #tpu.memory_space<vmem>>) dst(%dma_wait3A_104 : memref<576x128xf32, #tpu.memory_space<hbm>>)
      tpu.yield
    }) : () -> ()
    return
  }
}

#map = affine_map<(d0, d1) -> (0, 0)>
#map1 = affine_map<(d0, d1) -> (0)>
module attributes {stable_mosaic.version = 14 : i64} {
  func.func @gk(%arg0: i32, %arg1: i32, %arg2: memref<1024x128xf32, #tpu.memory_space<hbm>>, %arg3: memref<18432xi32, #tpu.memory_space<hbm>>, %arg4: memref<18432x128xf32, #tpu.memory_space<hbm>>, %arg5: memref<576xi32, #tpu.memory_space<vmem>>, %arg6: memref<576x128xf32, #tpu.memory_space<vmem>>, %arg7: memref<!tpu.dma_semaphore, #tpu.memory_space<semaphore_mem>>) attributes {dimension_semantics = [#tpu.dimension_semantics<core_parallel>, #tpu.dimension_semantics<subcore_parallel>], iteration_bounds = array<i64: 2, 16>, scalar_prefetch = 0 : i64, scratch_operands = 3 : i64, tpu.core_type = #tpu.core_type<sc_vector_subcore>, window_params = [{transform_indices = #map}, {transform_indices = #map1}, {transform_indices = #map}]} {
    %mul3A = arith.constant 2 : i32
    %mul3A_0 = arith.muli %arg1, %mul3A : i32
    %add3A = arith.addi %mul3A_0, %arg0 : i32
    %mul3A_1 = arith.constant 576 : i32
    %mul3A_2 = arith.muli %add3A, %mul3A_1 : i32
    "tpu.region"() ({
      %run_scoped3A = tpu.sem_alloc : memref<!tpu.dma_semaphore, #tpu.memory_space<semaphore_mem>>
      %dma_start3A_97 = tpu.memref_slice %arg3[%mul3A_2] : memref<18432xi32, #tpu.memory_space<hbm>> -> memref<576xi32, #tpu.memory_space<hbm>>
      %dma_start3A_98 = tpu.memref_slice %arg3[%mul3A_2] : memref<18432xi32, #tpu.memory_space<hbm>> -> memref<576xi32, #tpu.memory_space<hbm>>
      tpu.enqueue_dma source(%dma_start3A_98 : memref<576xi32, #tpu.memory_space<hbm>>) target(%arg5 : memref<576xi32, #tpu.memory_space<vmem>>) target_semaphore(%run_scoped3A : memref<!tpu.dma_semaphore, #tpu.memory_space<semaphore_mem>>)
      %dma_wait3A_99 = tpu.memref_slice %arg3[%mul3A_2] : memref<18432xi32, #tpu.memory_space<hbm>> -> memref<576xi32, #tpu.memory_space<hbm>>
      %dma_wait3A_100 = tpu.memref_slice %arg3[%mul3A_2] : memref<18432xi32, #tpu.memory_space<hbm>> -> memref<576xi32, #tpu.memory_space<hbm>>
      tpu.wait_dma2 semaphore(%run_scoped3A : memref<!tpu.dma_semaphore, #tpu.memory_space<semaphore_mem>>) src(%dma_wait3A_100 : memref<576xi32, #tpu.memory_space<hbm>>) dst(%arg5 : memref<576xi32, #tpu.memory_space<vmem>>)
      tpu.yield
    }) : () -> ()
    %dma_start3A = arith.constant 0 : i32
    %dma_start3A_3 = arith.constant 0 : i32
    %dma_start3A_4 = tpu.memref_slice %arg6[%dma_start3A, %dma_start3A_3] : memref<576x128xf32, #tpu.memory_space<vmem>> -> memref<96x128xf32, #tpu.memory_space<vmem>>
    %dma_start3A_5 = arith.constant 0 : i32
    %dma_start3A_6 = tpu.memref_slice %arg5[%dma_start3A_5] : memref<576xi32, #tpu.memory_space<vmem>> -> memref<96xi32, #tpu.memory_space<vmem>>
    %dma_start3A_7 = arith.constant 0 : i32
    %dma_start3A_8 = arith.constant 0 : i32
    %dma_start3A_9 = tpu.memref_slice %arg2[%dma_start3A_7, %dma_start3A_8] : memref<1024x128xf32, #tpu.memory_space<hbm>> -> memref<1024x128xf32, #tpu.memory_space<hbm>>
    tpu.enqueue_indirect_dma source(%dma_start3A_9 : memref<1024x128xf32, #tpu.memory_space<hbm>>) target(%dma_start3A_4 : memref<96x128xf32, #tpu.memory_space<vmem>>) offsets(%dma_start3A_6 : memref<96xi32, #tpu.memory_space<vmem>>) semaphore(%arg7 : memref<!tpu.dma_semaphore, #tpu.memory_space<semaphore_mem>>)
    %dma_start3A_10 = arith.constant 96 : i32
    %dma_start3A_11 = arith.constant 0 : i32
    %dma_start3A_12 = tpu.memref_slice %arg6[%dma_start3A_10, %dma_start3A_11] : memref<576x128xf32, #tpu.memory_space<vmem>> -> memref<96x128xf32, #tpu.memory_space<vmem>>
    %dma_start3A_13 = arith.constant 96 : i32
    %dma_start3A_14 = tpu.memref_slice %arg5[%dma_start3A_13] : memref<576xi32, #tpu.memory_space<vmem>> -> memref<96xi32, #tpu.memory_space<vmem>>
    %dma_start3A_15 = arith.constant 0 : i32
    %dma_start3A_16 = arith.constant 0 : i32
    %dma_start3A_17 = tpu.memref_slice %arg2[%dma_start3A_15, %dma_start3A_16] : memref<1024x128xf32, #tpu.memory_space<hbm>> -> memref<1024x128xf32, #tpu.memory_space<hbm>>
    tpu.enqueue_indirect_dma source(%dma_start3A_17 : memref<1024x128xf32, #tpu.memory_space<hbm>>) target(%dma_start3A_12 : memref<96x128xf32, #tpu.memory_space<vmem>>) offsets(%dma_start3A_14 : memref<96xi32, #tpu.memory_space<vmem>>) semaphore(%arg7 : memref<!tpu.dma_semaphore, #tpu.memory_space<semaphore_mem>>)
    %dma_start3A_18 = arith.constant 192 : i32
    %dma_start3A_19 = arith.constant 0 : i32
    %dma_start3A_20 = tpu.memref_slice %arg6[%dma_start3A_18, %dma_start3A_19] : memref<576x128xf32, #tpu.memory_space<vmem>> -> memref<96x128xf32, #tpu.memory_space<vmem>>
    %dma_start3A_21 = arith.constant 192 : i32
    %dma_start3A_22 = tpu.memref_slice %arg5[%dma_start3A_21] : memref<576xi32, #tpu.memory_space<vmem>> -> memref<96xi32, #tpu.memory_space<vmem>>
    %dma_start3A_23 = arith.constant 0 : i32
    %dma_start3A_24 = arith.constant 0 : i32
    %dma_start3A_25 = tpu.memref_slice %arg2[%dma_start3A_23, %dma_start3A_24] : memref<1024x128xf32, #tpu.memory_space<hbm>> -> memref<1024x128xf32, #tpu.memory_space<hbm>>
    tpu.enqueue_indirect_dma source(%dma_start3A_25 : memref<1024x128xf32, #tpu.memory_space<hbm>>) target(%dma_start3A_20 : memref<96x128xf32, #tpu.memory_space<vmem>>) offsets(%dma_start3A_22 : memref<96xi32, #tpu.memory_space<vmem>>) semaphore(%arg7 : memref<!tpu.dma_semaphore, #tpu.memory_space<semaphore_mem>>)
    %dma_start3A_26 = arith.constant 288 : i32
    %dma_start3A_27 = arith.constant 0 : i32
    %dma_start3A_28 = tpu.memref_slice %arg6[%dma_start3A_26, %dma_start3A_27] : memref<576x128xf32, #tpu.memory_space<vmem>> -> memref<96x128xf32, #tpu.memory_space<vmem>>
    %dma_start3A_29 = arith.constant 288 : i32
    %dma_start3A_30 = tpu.memref_slice %arg5[%dma_start3A_29] : memref<576xi32, #tpu.memory_space<vmem>> -> memref<96xi32, #tpu.memory_space<vmem>>
    %dma_start3A_31 = arith.constant 0 : i32
    %dma_start3A_32 = arith.constant 0 : i32
    %dma_start3A_33 = tpu.memref_slice %arg2[%dma_start3A_31, %dma_start3A_32] : memref<1024x128xf32, #tpu.memory_space<hbm>> -> memref<1024x128xf32, #tpu.memory_space<hbm>>
    tpu.enqueue_indirect_dma source(%dma_start3A_33 : memref<1024x128xf32, #tpu.memory_space<hbm>>) target(%dma_start3A_28 : memref<96x128xf32, #tpu.memory_space<vmem>>) offsets(%dma_start3A_30 : memref<96xi32, #tpu.memory_space<vmem>>) semaphore(%arg7 : memref<!tpu.dma_semaphore, #tpu.memory_space<semaphore_mem>>)
    %dma_start3A_34 = arith.constant 384 : i32
    %dma_start3A_35 = arith.constant 0 : i32
    %dma_start3A_36 = tpu.memref_slice %arg6[%dma_start3A_34, %dma_start3A_35] : memref<576x128xf32, #tpu.memory_space<vmem>> -> memref<96x128xf32, #tpu.memory_space<vmem>>
    %dma_start3A_37 = arith.constant 384 : i32
    %dma_start3A_38 = tpu.memref_slice %arg5[%dma_start3A_37] : memref<576xi32, #tpu.memory_space<vmem>> -> memref<96xi32, #tpu.memory_space<vmem>>
    %dma_start3A_39 = arith.constant 0 : i32
    %dma_start3A_40 = arith.constant 0 : i32
    %dma_start3A_41 = tpu.memref_slice %arg2[%dma_start3A_39, %dma_start3A_40] : memref<1024x128xf32, #tpu.memory_space<hbm>> -> memref<1024x128xf32, #tpu.memory_space<hbm>>
    tpu.enqueue_indirect_dma source(%dma_start3A_41 : memref<1024x128xf32, #tpu.memory_space<hbm>>) target(%dma_start3A_36 : memref<96x128xf32, #tpu.memory_space<vmem>>) offsets(%dma_start3A_38 : memref<96xi32, #tpu.memory_space<vmem>>) semaphore(%arg7 : memref<!tpu.dma_semaphore, #tpu.memory_space<semaphore_mem>>)
    %dma_start3A_42 = arith.constant 480 : i32
    %dma_start3A_43 = arith.constant 0 : i32
    %dma_start3A_44 = tpu.memref_slice %arg6[%dma_start3A_42, %dma_start3A_43] : memref<576x128xf32, #tpu.memory_space<vmem>> -> memref<96x128xf32, #tpu.memory_space<vmem>>
    %dma_start3A_45 = arith.constant 480 : i32
    %dma_start3A_46 = tpu.memref_slice %arg5[%dma_start3A_45] : memref<576xi32, #tpu.memory_space<vmem>> -> memref<96xi32, #tpu.memory_space<vmem>>
    %dma_start3A_47 = arith.constant 0 : i32
    %dma_start3A_48 = arith.constant 0 : i32
    %dma_start3A_49 = tpu.memref_slice %arg2[%dma_start3A_47, %dma_start3A_48] : memref<1024x128xf32, #tpu.memory_space<hbm>> -> memref<1024x128xf32, #tpu.memory_space<hbm>>
    tpu.enqueue_indirect_dma source(%dma_start3A_49 : memref<1024x128xf32, #tpu.memory_space<hbm>>) target(%dma_start3A_44 : memref<96x128xf32, #tpu.memory_space<vmem>>) offsets(%dma_start3A_46 : memref<96xi32, #tpu.memory_space<vmem>>) semaphore(%arg7 : memref<!tpu.dma_semaphore, #tpu.memory_space<semaphore_mem>>)
    %dma_wait3A = arith.constant 0 : i32
    %dma_wait3A_50 = arith.constant 0 : i32
    %dma_wait3A_51 = tpu.memref_slice %arg6[%dma_wait3A, %dma_wait3A_50] : memref<576x128xf32, #tpu.memory_space<vmem>> -> memref<96x128xf32, #tpu.memory_space<vmem>>
    %dma_wait3A_52 = arith.constant 0 : i32
    %dma_wait3A_53 = tpu.memref_slice %arg5[%dma_wait3A_52] : memref<576xi32, #tpu.memory_space<vmem>> -> memref<96xi32, #tpu.memory_space<vmem>>
    %dma_wait3A_54 = arith.constant 0 : i32
    %dma_wait3A_55 = arith.constant 0 : i32
    %dma_wait3A_56 = tpu.memref_slice %arg2[%dma_wait3A_54, %dma_wait3A_55] : memref<1024x128xf32, #tpu.memory_space<hbm>> -> memref<1024x128xf32, #tpu.memory_space<hbm>>
    tpu.wait_indirect_dma semaphore(%arg7 : memref<!tpu.dma_semaphore, #tpu.memory_space<semaphore_mem>>) src(%dma_wait3A_56 : memref<1024x128xf32, #tpu.memory_space<hbm>>) dst(%dma_wait3A_51 : memref<96x128xf32, #tpu.memory_space<vmem>>)
    %dma_wait3A_57 = arith.constant 96 : i32
    %dma_wait3A_58 = arith.constant 0 : i32
    %dma_wait3A_59 = tpu.memref_slice %arg6[%dma_wait3A_57, %dma_wait3A_58] : memref<576x128xf32, #tpu.memory_space<vmem>> -> memref<96x128xf32, #tpu.memory_space<vmem>>
    %dma_wait3A_60 = arith.constant 96 : i32
    %dma_wait3A_61 = tpu.memref_slice %arg5[%dma_wait3A_60] : memref<576xi32, #tpu.memory_space<vmem>> -> memref<96xi32, #tpu.memory_space<vmem>>
    %dma_wait3A_62 = arith.constant 0 : i32
    %dma_wait3A_63 = arith.constant 0 : i32
    %dma_wait3A_64 = tpu.memref_slice %arg2[%dma_wait3A_62, %dma_wait3A_63] : memref<1024x128xf32, #tpu.memory_space<hbm>> -> memref<1024x128xf32, #tpu.memory_space<hbm>>
    tpu.wait_indirect_dma semaphore(%arg7 : memref<!tpu.dma_semaphore, #tpu.memory_space<semaphore_mem>>) src(%dma_wait3A_64 : memref<1024x128xf32, #tpu.memory_space<hbm>>) dst(%dma_wait3A_59 : memref<96x128xf32, #tpu.memory_space<vmem>>)
    %dma_wait3A_65 = arith.constant 192 : i32
    %dma_wait3A_66 = arith.constant 0 : i32
    %dma_wait3A_67 = tpu.memref_slice %arg6[%dma_wait3A_65, %dma_wait3A_66] : memref<576x128xf32, #tpu.memory_space<vmem>> -> memref<96x128xf32, #tpu.memory_space<vmem>>
    %dma_wait3A_68 = arith.constant 192 : i32
    %dma_wait3A_69 = tpu.memref_slice %arg5[%dma_wait3A_68] : memref<576xi32, #tpu.memory_space<vmem>> -> memref<96xi32, #tpu.memory_space<vmem>>
    %dma_wait3A_70 = arith.constant 0 : i32
    %dma_wait3A_71 = arith.constant 0 : i32
    %dma_wait3A_72 = tpu.memref_slice %arg2[%dma_wait3A_70, %dma_wait3A_71] : memref<1024x128xf32, #tpu.memory_space<hbm>> -> memref<1024x128xf32, #tpu.memory_space<hbm>>
    tpu.wait_indirect_dma semaphore(%arg7 : memref<!tpu.dma_semaphore, #tpu.memory_space<semaphore_mem>>) src(%dma_wait3A_72 : memref<1024x128xf32, #tpu.memory_space<hbm>>) dst(%dma_wait3A_67 : memref<96x128xf32, #tpu.memory_space<vmem>>)
    %dma_wait3A_73 = arith.constant 288 : i32
    %dma_wait3A_74 = arith.constant 0 : i32
    %dma_wait3A_75 = tpu.memref_slice %arg6[%dma_wait3A_73, %dma_wait3A_74] : memref<576x128xf32, #tpu.memory_space<vmem>> -> memref<96x128xf32, #tpu.memory_space<vmem>>
    %dma_wait3A_76 = arith.constant 288 : i32
    %dma_wait3A_77 = tpu.memref_slice %arg5[%dma_wait3A_76] : memref<576xi32, #tpu.memory_space<vmem>> -> memref<96xi32, #tpu.memory_space<vmem>>
    %dma_wait3A_78 = arith.constant 0 : i32
    %dma_wait3A_79 = arith.constant 0 : i32
    %dma_wait3A_80 = tpu.memref_slice %arg2[%dma_wait3A_78, %dma_wait3A_79] : memref<1024x128xf32, #tpu.memory_space<hbm>> -> memref<1024x128xf32, #tpu.memory_space<hbm>>
    tpu.wait_indirect_dma semaphore(%arg7 : memref<!tpu.dma_semaphore, #tpu.memory_space<semaphore_mem>>) src(%dma_wait3A_80 : memref<1024x128xf32, #tpu.memory_space<hbm>>) dst(%dma_wait3A_75 : memref<96x128xf32, #tpu.memory_space<vmem>>)
    %dma_wait3A_81 = arith.constant 384 : i32
    %dma_wait3A_82 = arith.constant 0 : i32
    %dma_wait3A_83 = tpu.memref_slice %arg6[%dma_wait3A_81, %dma_wait3A_82] : memref<576x128xf32, #tpu.memory_space<vmem>> -> memref<96x128xf32, #tpu.memory_space<vmem>>
    %dma_wait3A_84 = arith.constant 384 : i32
    %dma_wait3A_85 = tpu.memref_slice %arg5[%dma_wait3A_84] : memref<576xi32, #tpu.memory_space<vmem>> -> memref<96xi32, #tpu.memory_space<vmem>>
    %dma_wait3A_86 = arith.constant 0 : i32
    %dma_wait3A_87 = arith.constant 0 : i32
    %dma_wait3A_88 = tpu.memref_slice %arg2[%dma_wait3A_86, %dma_wait3A_87] : memref<1024x128xf32, #tpu.memory_space<hbm>> -> memref<1024x128xf32, #tpu.memory_space<hbm>>
    tpu.wait_indirect_dma semaphore(%arg7 : memref<!tpu.dma_semaphore, #tpu.memory_space<semaphore_mem>>) src(%dma_wait3A_88 : memref<1024x128xf32, #tpu.memory_space<hbm>>) dst(%dma_wait3A_83 : memref<96x128xf32, #tpu.memory_space<vmem>>)
    %dma_wait3A_89 = arith.constant 480 : i32
    %dma_wait3A_90 = arith.constant 0 : i32
    %dma_wait3A_91 = tpu.memref_slice %arg6[%dma_wait3A_89, %dma_wait3A_90] : memref<576x128xf32, #tpu.memory_space<vmem>> -> memref<96x128xf32, #tpu.memory_space<vmem>>
    %dma_wait3A_92 = arith.constant 480 : i32
    %dma_wait3A_93 = tpu.memref_slice %arg5[%dma_wait3A_92] : memref<576xi32, #tpu.memory_space<vmem>> -> memref<96xi32, #tpu.memory_space<vmem>>
    %dma_wait3A_94 = arith.constant 0 : i32
    %dma_wait3A_95 = arith.constant 0 : i32
    %dma_wait3A_96 = tpu.memref_slice %arg2[%dma_wait3A_94, %dma_wait3A_95] : memref<1024x128xf32, #tpu.memory_space<hbm>> -> memref<1024x128xf32, #tpu.memory_space<hbm>>
    tpu.wait_indirect_dma semaphore(%arg7 : memref<!tpu.dma_semaphore, #tpu.memory_space<semaphore_mem>>) src(%dma_wait3A_96 : memref<1024x128xf32, #tpu.memory_space<hbm>>) dst(%dma_wait3A_91 : memref<96x128xf32, #tpu.memory_space<vmem>>)
    "tpu.region"() ({
      %run_scoped3A = tpu.sem_alloc : memref<!tpu.dma_semaphore, #tpu.memory_space<semaphore_mem>>
      %dma_start3A_97 = arith.constant 0 : i32
      %dma_start3A_98 = tpu.memref_slice %arg4[%mul3A_2, %dma_start3A_97] : memref<18432x128xf32, #tpu.memory_space<hbm>> -> memref<576x128xf32, #tpu.memory_space<hbm>>
      %dma_start3A_99 = arith.constant 0 : i32
      %dma_start3A_100 = tpu.memref_slice %arg4[%mul3A_2, %dma_start3A_99] : memref<18432x128xf32, #tpu.memory_space<hbm>> -> memref<576x128xf32, #tpu.memory_space<hbm>>
      tpu.enqueue_dma source(%arg6 : memref<576x128xf32, #tpu.memory_space<vmem>>) target(%dma_start3A_100 : memref<576x128xf32, #tpu.memory_space<hbm>>) target_semaphore(%run_scoped3A : memref<!tpu.dma_semaphore, #tpu.memory_space<semaphore_mem>>)
      %dma_wait3A_101 = arith.constant 0 : i32
      %dma_wait3A_102 = tpu.memref_slice %arg4[%mul3A_2, %dma_wait3A_101] : memref<18432x128xf32, #tpu.memory_space<hbm>> -> memref<576x128xf32, #tpu.memory_space<hbm>>
      %dma_wait3A_103 = arith.constant 0 : i32
      %dma_wait3A_104 = tpu.memref_slice %arg4[%mul3A_2, %dma_wait3A_103] : memref<18432x128xf32, #tpu.memory_space<hbm>> -> memref<576x128xf32, #tpu.memory_space<hbm>>
      tpu.wait_dma2 semaphore(%run_scoped3A : memref<!tpu.dma_semaphore, #tpu.memory_space<semaphore_mem>>) src(%arg6 : memref<576x128xf32, #tpu.memory_space<vmem>>) dst(%dma_wait3A_104 : memref<576x128xf32, #tpu.memory_space<hbm>>)
      tpu.yield
    }) : () -> ()
    return
  }
}

module attributes {stable_mosaic.version = 14 : i64} {
  func.func @_topk_body(%arg0: i32, %arg1: i32, %arg2: memref<1x1024x3xf32, #tpu.memory_space<vmem>>, %arg3: memref<1x3x1024xf32, #tpu.memory_space<vmem>>, %arg4: memref<16x1024xi32, #tpu.memory_space<vmem>>) attributes {dimension_semantics = [#tpu.dimension_semantics<arbitrary>, #tpu.dimension_semantics<arbitrary>], iteration_bounds = array<i64: 1, 2>, scalar_prefetch = 0 : i64, scratch_operands = 0 : i64, tpu.core_type = #tpu.core_type<tc>, window_params = [{transform_indices = @transform_0, window_bounds = array<i64: 1, 1024, 3>}, {transform_indices = @transform_1, window_bounds = array<i64: 1, 3, 1024>}, {transform_indices = @transform_2, window_bounds = array<i64: 16, 1024>}]} {
    %get3A = arith.constant 0 : index
    %get3A_0 = arith.constant 0 : index
    %get3A_1 = arith.constant 0 : index
    %get3A_2 = vector.load %arg2[%get3A, %get3A_0, %get3A_1] : memref<1x1024x3xf32, #tpu.memory_space<vmem>>, vector<1x1024x3xf32>
    %get3A_3 = vector.shape_cast %get3A_2 : vector<1x1024x3xf32> to vector<1024x3xf32>
    %slice3A = vector.extract_strided_slice %get3A_3 {offsets = [0, 0], sizes = [1024, 1], strides = [1, 1]} : vector<1024x3xf32> to vector<1024x1xf32>
    %get3A_4 = arith.constant 0 : index
    %get3A_5 = arith.constant 0 : index
    %get3A_6 = arith.constant 0 : index
    %get3A_7 = vector.load %arg3[%get3A_4, %get3A_5, %get3A_6] : memref<1x3x1024xf32, #tpu.memory_space<vmem>>, vector<1x1x1024xf32>
    %get3A_8 = vector.shape_cast %get3A_7 : vector<1x1x1024xf32> to vector<1x1024xf32>
    %sub3A = vector.broadcast %slice3A : vector<1024x1xf32> to vector<1024x1024xf32>
    %sub3A_9 = vector.broadcast %get3A_8 : vector<1x1024xf32> to vector<1024x1024xf32>
    %sub3A_10 = arith.subf %sub3A, %sub3A_9 : vector<1024x1024xf32>
    %mul3A = arith.mulf %sub3A_10, %sub3A_10 : vector<1024x1024xf32>
    %slice3A_11 = vector.extract_strided_slice %get3A_3 {offsets = [0, 1], sizes = [1024, 1], strides = [1, 1]} : vector<1024x3xf32> to vector<1024x1xf32>
    %get3A_12 = arith.constant 0 : index
    %get3A_13 = arith.constant 1 : index
    %get3A_14 = arith.constant 0 : index
    %get3A_15 = vector.load %arg3[%get3A_12, %get3A_13, %get3A_14] : memref<1x3x1024xf32, #tpu.memory_space<vmem>>, vector<1x1x1024xf32>
    %get3A_16 = vector.shape_cast %get3A_15 : vector<1x1x1024xf32> to vector<1x1024xf32>
    %sub3A_17 = vector.broadcast %slice3A_11 : vector<1024x1xf32> to vector<1024x1024xf32>
    %sub3A_18 = vector.broadcast %get3A_16 : vector<1x1024xf32> to vector<1024x1024xf32>
    %sub3A_19 = arith.subf %sub3A_17, %sub3A_18 : vector<1024x1024xf32>
    %mul3A_20 = arith.mulf %sub3A_19, %sub3A_19 : vector<1024x1024xf32>
    %add3A = arith.addf %mul3A, %mul3A_20 : vector<1024x1024xf32>
    %slice3A_21 = vector.extract_strided_slice %get3A_3 {offsets = [0, 2], sizes = [1024, 1], strides = [1, 1]} : vector<1024x3xf32> to vector<1024x1xf32>
    %get3A_22 = arith.constant 0 : index
    %get3A_23 = arith.constant 2 : index
    %get3A_24 = arith.constant 0 : index
    %get3A_25 = vector.load %arg3[%get3A_22, %get3A_23, %get3A_24] : memref<1x3x1024xf32, #tpu.memory_space<vmem>>, vector<1x1x1024xf32>
    %get3A_26 = vector.shape_cast %get3A_25 : vector<1x1x1024xf32> to vector<1x1024xf32>
    %sub3A_27 = vector.broadcast %slice3A_21 : vector<1024x1xf32> to vector<1024x1024xf32>
    %sub3A_28 = vector.broadcast %get3A_26 : vector<1x1024xf32> to vector<1024x1024xf32>
    %sub3A_29 = arith.subf %sub3A_27, %sub3A_28 : vector<1024x1024xf32>
    %mul3A_30 = arith.mulf %sub3A_29, %sub3A_29 : vector<1024x1024xf32>
    %add3A_31 = arith.addf %add3A, %mul3A_30 : vector<1024x1024xf32>
    %sqrt3A = math.sqrt %add3A_31 : vector<1024x1024xf32>
    %iota3A = tpu.iota {dimensions = array<i32: 1>} : vector<1024x1024xi32>
    %convert_element_type3A = arith.sitofp %iota3A : vector<1024x1024xi32> to vector<1024x1024xf32>
    %reduce_min3A = arith.constant dense<0x7F800000> : vector<1024xf32>
    %reduce_min3A_32 = vector.multi_reduction <minimumf>, %sqrt3A, %reduce_min3A [1] : vector<1024x1024xf32> to vector<1024xf32>
    %broadcast_in_dim3A = vector.shape_cast %reduce_min3A_32 : vector<1024xf32> to vector<1024x1xf32>
    %eq3A = vector.broadcast %broadcast_in_dim3A : vector<1024x1xf32> to vector<1024x1024xf32>
    %eq3A_33 = arith.cmpf oeq, %sqrt3A, %eq3A : vector<1024x1024xf32>
    %jit3A = arith.constant 1.024000e+03 : f32
    %broadcast_in_dim3A_34 = vector.broadcast %jit3A : f32 to vector<1024x1024xf32>
    %select_n3A = arith.select %eq3A_33, %convert_element_type3A, %broadcast_in_dim3A_34 : vector<1024x1024xi1>, vector<1024x1024xf32>
    %reduce_min3A_35 = arith.constant dense<0x7F800000> : vector<1024xf32>
    %reduce_min3A_36 = vector.multi_reduction <minimumf>, %select_n3A, %reduce_min3A_35 [1] : vector<1024x1024xf32> to vector<1024xf32>
    %broadcast_in_dim3A_37 = vector.shape_cast %reduce_min3A_36 : vector<1024xf32> to vector<1024x1xf32>
    %eq3A_38 = vector.broadcast %broadcast_in_dim3A_37 : vector<1024x1xf32> to vector<1024x1024xf32>
    %eq3A_39 = arith.cmpf oeq, %convert_element_type3A, %eq3A_38 : vector<1024x1024xf32>
    %jit3A_40 = arith.constant 3.000000e+38 : f32
    %broadcast_in_dim3A_41 = vector.broadcast %jit3A_40 : f32 to vector<1024x1024xf32>
    %select_n3A_42 = arith.select %eq3A_39, %broadcast_in_dim3A_41, %sqrt3A : vector<1024x1024xi1>, vector<1024x1024xf32>
    %reduce_min3A_43 = arith.constant dense<0x7F800000> : vector<1024xf32>
    %reduce_min3A_44 = vector.multi_reduction <minimumf>, %select_n3A_42, %reduce_min3A_43 [1] : vector<1024x1024xf32> to vector<1024xf32>
    %broadcast_in_dim3A_45 = vector.shape_cast %reduce_min3A_44 : vector<1024xf32> to vector<1024x1xf32>
    %eq3A_46 = vector.broadcast %broadcast_in_dim3A_45 : vector<1024x1xf32> to vector<1024x1024xf32>
    %eq3A_47 = arith.cmpf oeq, %select_n3A_42, %eq3A_46 : vector<1024x1024xf32>
    %jit3A_48 = arith.constant 1.024000e+03 : f32
    %broadcast_in_dim3A_49 = vector.broadcast %jit3A_48 : f32 to vector<1024x1024xf32>
    %select_n3A_50 = arith.select %eq3A_47, %convert_element_type3A, %broadcast_in_dim3A_49 : vector<1024x1024xi1>, vector<1024x1024xf32>
    %reduce_min3A_51 = arith.constant dense<0x7F800000> : vector<1024xf32>
    %reduce_min3A_52 = vector.multi_reduction <minimumf>, %select_n3A_50, %reduce_min3A_51 [1] : vector<1024x1024xf32> to vector<1024xf32>
    %broadcast_in_dim3A_53 = vector.shape_cast %reduce_min3A_52 : vector<1024xf32> to vector<1024x1xf32>
    %eq3A_54 = vector.broadcast %broadcast_in_dim3A_53 : vector<1024x1xf32> to vector<1024x1024xf32>
    %eq3A_55 = arith.cmpf oeq, %convert_element_type3A, %eq3A_54 : vector<1024x1024xf32>
    %jit3A_56 = arith.constant 3.000000e+38 : f32
    %broadcast_in_dim3A_57 = vector.broadcast %jit3A_56 : f32 to vector<1024x1024xf32>
    %select_n3A_58 = arith.select %eq3A_55, %broadcast_in_dim3A_57, %select_n3A_42 : vector<1024x1024xi1>, vector<1024x1024xf32>
    %reduce_min3A_59 = arith.constant dense<0x7F800000> : vector<1024xf32>
    %reduce_min3A_60 = vector.multi_reduction <minimumf>, %select_n3A_58, %reduce_min3A_59 [1] : vector<1024x1024xf32> to vector<1024xf32>
    %broadcast_in_dim3A_61 = vector.shape_cast %reduce_min3A_60 : vector<1024xf32> to vector<1024x1xf32>
    %eq3A_62 = vector.broadcast %broadcast_in_dim3A_61 : vector<1024x1xf32> to vector<1024x1024xf32>
    %eq3A_63 = arith.cmpf oeq, %select_n3A_58, %eq3A_62 : vector<1024x1024xf32>
    %jit3A_64 = arith.constant 1.024000e+03 : f32
    %broadcast_in_dim3A_65 = vector.broadcast %jit3A_64 : f32 to vector<1024x1024xf32>
    %select_n3A_66 = arith.select %eq3A_63, %convert_element_type3A, %broadcast_in_dim3A_65 : vector<1024x1024xi1>, vector<1024x1024xf32>
    %reduce_min3A_67 = arith.constant dense<0x7F800000> : vector<1024xf32>
    %reduce_min3A_68 = vector.multi_reduction <minimumf>, %select_n3A_66, %reduce_min3A_67 [1] : vector<1024x1024xf32> to vector<1024xf32>
    %broadcast_in_dim3A_69 = vector.shape_cast %reduce_min3A_68 : vector<1024xf32> to vector<1024x1xf32>
    %eq3A_70 = vector.broadcast %broadcast_in_dim3A_69 : vector<1024x1xf32> to vector<1024x1024xf32>
    %eq3A_71 = arith.cmpf oeq, %convert_element_type3A, %eq3A_70 : vector<1024x1024xf32>
    %jit3A_72 = arith.constant 3.000000e+38 : f32
    %broadcast_in_dim3A_73 = vector.broadcast %jit3A_72 : f32 to vector<1024x1024xf32>
    %select_n3A_74 = arith.select %eq3A_71, %broadcast_in_dim3A_73, %select_n3A_58 : vector<1024x1024xi1>, vector<1024x1024xf32>
    %reduce_min3A_75 = arith.constant dense<0x7F800000> : vector<1024xf32>
    %reduce_min3A_76 = vector.multi_reduction <minimumf>, %select_n3A_74, %reduce_min3A_75 [1] : vector<1024x1024xf32> to vector<1024xf32>
    %broadcast_in_dim3A_77 = vector.shape_cast %reduce_min3A_76 : vector<1024xf32> to vector<1024x1xf32>
    %eq3A_78 = vector.broadcast %broadcast_in_dim3A_77 : vector<1024x1xf32> to vector<1024x1024xf32>
    %eq3A_79 = arith.cmpf oeq, %select_n3A_74, %eq3A_78 : vector<1024x1024xf32>
    %jit3A_80 = arith.constant 1.024000e+03 : f32
    %broadcast_in_dim3A_81 = vector.broadcast %jit3A_80 : f32 to vector<1024x1024xf32>
    %select_n3A_82 = arith.select %eq3A_79, %convert_element_type3A, %broadcast_in_dim3A_81 : vector<1024x1024xi1>, vector<1024x1024xf32>
    %reduce_min3A_83 = arith.constant dense<0x7F800000> : vector<1024xf32>
    %reduce_min3A_84 = vector.multi_reduction <minimumf>, %select_n3A_82, %reduce_min3A_83 [1] : vector<1024x1024xf32> to vector<1024xf32>
    %broadcast_in_dim3A_85 = vector.shape_cast %reduce_min3A_84 : vector<1024xf32> to vector<1024x1xf32>
    %eq3A_86 = vector.broadcast %broadcast_in_dim3A_85 : vector<1024x1xf32> to vector<1024x1024xf32>
    %eq3A_87 = arith.cmpf oeq, %convert_element_type3A, %eq3A_86 : vector<1024x1024xf32>
    %jit3A_88 = arith.constant 3.000000e+38 : f32
    %broadcast_in_dim3A_89 = vector.broadcast %jit3A_88 : f32 to vector<1024x1024xf32>
    %select_n3A_90 = arith.select %eq3A_87, %broadcast_in_dim3A_89, %select_n3A_74 : vector<1024x1024xi1>, vector<1024x1024xf32>
    %reduce_min3A_91 = arith.constant dense<0x7F800000> : vector<1024xf32>
    %reduce_min3A_92 = vector.multi_reduction <minimumf>, %select_n3A_90, %reduce_min3A_91 [1] : vector<1024x1024xf32> to vector<1024xf32>
    %broadcast_in_dim3A_93 = vector.shape_cast %reduce_min3A_92 : vector<1024xf32> to vector<1024x1xf32>
    %eq3A_94 = vector.broadcast %broadcast_in_dim3A_93 : vector<1024x1xf32> to vector<1024x1024xf32>
    %eq3A_95 = arith.cmpf oeq, %select_n3A_90, %eq3A_94 : vector<1024x1024xf32>
    %jit3A_96 = arith.constant 1.024000e+03 : f32
    %broadcast_in_dim3A_97 = vector.broadcast %jit3A_96 : f32 to vector<1024x1024xf32>
    %select_n3A_98 = arith.select %eq3A_95, %convert_element_type3A, %broadcast_in_dim3A_97 : vector<1024x1024xi1>, vector<1024x1024xf32>
    %reduce_min3A_99 = arith.constant dense<0x7F800000> : vector<1024xf32>
    %reduce_min3A_100 = vector.multi_reduction <minimumf>, %select_n3A_98, %reduce_min3A_99 [1] : vector<1024x1024xf32> to vector<1024xf32>
    %broadcast_in_dim3A_101 = vector.shape_cast %reduce_min3A_100 : vector<1024xf32> to vector<1024x1xf32>
    %eq3A_102 = vector.broadcast %broadcast_in_dim3A_101 : vector<1024x1xf32> to vector<1024x1024xf32>
    %eq3A_103 = arith.cmpf oeq, %convert_element_type3A, %eq3A_102 : vector<1024x1024xf32>
    %jit3A_104 = arith.constant 3.000000e+38 : f32
    %broadcast_in_dim3A_105 = vector.broadcast %jit3A_104 : f32 to vector<1024x1024xf32>
    %select_n3A_106 = arith.select %eq3A_103, %broadcast_in_dim3A_105, %select_n3A_90 : vector<1024x1024xi1>, vector<1024x1024xf32>
    %reduce_min3A_107 = arith.constant dense<0x7F800000> : vector<1024xf32>
    %reduce_min3A_108 = vector.multi_reduction <minimumf>, %select_n3A_106, %reduce_min3A_107 [1] : vector<1024x1024xf32> to vector<1024xf32>
    %broadcast_in_dim3A_109 = vector.shape_cast %reduce_min3A_108 : vector<1024xf32> to vector<1024x1xf32>
    %eq3A_110 = vector.broadcast %broadcast_in_dim3A_109 : vector<1024x1xf32> to vector<1024x1024xf32>
    %eq3A_111 = arith.cmpf oeq, %select_n3A_106, %eq3A_110 : vector<1024x1024xf32>
    %jit3A_112 = arith.constant 1.024000e+03 : f32
    %broadcast_in_dim3A_113 = vector.broadcast %jit3A_112 : f32 to vector<1024x1024xf32>
    %select_n3A_114 = arith.select %eq3A_111, %convert_element_type3A, %broadcast_in_dim3A_113 : vector<1024x1024xi1>, vector<1024x1024xf32>
    %reduce_min3A_115 = arith.constant dense<0x7F800000> : vector<1024xf32>
    %reduce_min3A_116 = vector.multi_reduction <minimumf>, %select_n3A_114, %reduce_min3A_115 [1] : vector<1024x1024xf32> to vector<1024xf32>
    %broadcast_in_dim3A_117 = vector.shape_cast %reduce_min3A_116 : vector<1024xf32> to vector<1024x1xf32>
    %eq3A_118 = vector.broadcast %broadcast_in_dim3A_117 : vector<1024x1xf32> to vector<1024x1024xf32>
    %eq3A_119 = arith.cmpf oeq, %convert_element_type3A, %eq3A_118 : vector<1024x1024xf32>
    %jit3A_120 = arith.constant 3.000000e+38 : f32
    %broadcast_in_dim3A_121 = vector.broadcast %jit3A_120 : f32 to vector<1024x1024xf32>
    %select_n3A_122 = arith.select %eq3A_119, %broadcast_in_dim3A_121, %select_n3A_106 : vector<1024x1024xi1>, vector<1024x1024xf32>
    %reduce_min3A_123 = arith.constant dense<0x7F800000> : vector<1024xf32>
    %reduce_min3A_124 = vector.multi_reduction <minimumf>, %select_n3A_122, %reduce_min3A_123 [1] : vector<1024x1024xf32> to vector<1024xf32>
    %broadcast_in_dim3A_125 = vector.shape_cast %reduce_min3A_124 : vector<1024xf32> to vector<1024x1xf32>
    %eq3A_126 = vector.broadcast %broadcast_in_dim3A_125 : vector<1024x1xf32> to vector<1024x1024xf32>
    %eq3A_127 = arith.cmpf oeq, %select_n3A_122, %eq3A_126 : vector<1024x1024xf32>
    %jit3A_128 = arith.constant 1.024000e+03 : f32
    %broadcast_in_dim3A_129 = vector.broadcast %jit3A_128 : f32 to vector<1024x1024xf32>
    %select_n3A_130 = arith.select %eq3A_127, %convert_element_type3A, %broadcast_in_dim3A_129 : vector<1024x1024xi1>, vector<1024x1024xf32>
    %reduce_min3A_131 = arith.constant dense<0x7F800000> : vector<1024xf32>
    %reduce_min3A_132 = vector.multi_reduction <minimumf>, %select_n3A_130, %reduce_min3A_131 [1] : vector<1024x1024xf32> to vector<1024xf32>
    %broadcast_in_dim3A_133 = vector.shape_cast %reduce_min3A_132 : vector<1024xf32> to vector<1024x1xf32>
    %eq3A_134 = vector.broadcast %broadcast_in_dim3A_133 : vector<1024x1xf32> to vector<1024x1024xf32>
    %eq3A_135 = arith.cmpf oeq, %convert_element_type3A, %eq3A_134 : vector<1024x1024xf32>
    %jit3A_136 = arith.constant 3.000000e+38 : f32
    %broadcast_in_dim3A_137 = vector.broadcast %jit3A_136 : f32 to vector<1024x1024xf32>
    %select_n3A_138 = arith.select %eq3A_135, %broadcast_in_dim3A_137, %select_n3A_122 : vector<1024x1024xi1>, vector<1024x1024xf32>
    %reduce_min3A_139 = arith.constant dense<0x7F800000> : vector<1024xf32>
    %reduce_min3A_140 = vector.multi_reduction <minimumf>, %select_n3A_138, %reduce_min3A_139 [1] : vector<1024x1024xf32> to vector<1024xf32>
    %broadcast_in_dim3A_141 = vector.shape_cast %reduce_min3A_140 : vector<1024xf32> to vector<1024x1xf32>
    %eq3A_142 = vector.broadcast %broadcast_in_dim3A_141 : vector<1024x1xf32> to vector<1024x1024xf32>
    %eq3A_143 = arith.cmpf oeq, %select_n3A_138, %eq3A_142 : vector<1024x1024xf32>
    %jit3A_144 = arith.constant 1.024000e+03 : f32
    %broadcast_in_dim3A_145 = vector.broadcast %jit3A_144 : f32 to vector<1024x1024xf32>
    %select_n3A_146 = arith.select %eq3A_143, %convert_element_type3A, %broadcast_in_dim3A_145 : vector<1024x1024xi1>, vector<1024x1024xf32>
    %reduce_min3A_147 = arith.constant dense<0x7F800000> : vector<1024xf32>
    %reduce_min3A_148 = vector.multi_reduction <minimumf>, %select_n3A_146, %reduce_min3A_147 [1] : vector<1024x1024xf32> to vector<1024xf32>
    %broadcast_in_dim3A_149 = vector.shape_cast %reduce_min3A_148 : vector<1024xf32> to vector<1024x1xf32>
    %eq3A_150 = vector.broadcast %broadcast_in_dim3A_149 : vector<1024x1xf32> to vector<1024x1024xf32>
    %eq3A_151 = arith.cmpf oeq, %convert_element_type3A, %eq3A_150 : vector<1024x1024xf32>
    %jit3A_152 = arith.constant 3.000000e+38 : f32
    %broadcast_in_dim3A_153 = vector.broadcast %jit3A_152 : f32 to vector<1024x1024xf32>
    %select_n3A_154 = arith.select %eq3A_151, %broadcast_in_dim3A_153, %select_n3A_138 : vector<1024x1024xi1>, vector<1024x1024xf32>
    %reduce_min3A_155 = arith.constant dense<0x7F800000> : vector<1024xf32>
    %reduce_min3A_156 = vector.multi_reduction <minimumf>, %select_n3A_154, %reduce_min3A_155 [1] : vector<1024x1024xf32> to vector<1024xf32>
    %broadcast_in_dim3A_157 = vector.shape_cast %reduce_min3A_156 : vector<1024xf32> to vector<1024x1xf32>
    %eq3A_158 = vector.broadcast %broadcast_in_dim3A_157 : vector<1024x1xf32> to vector<1024x1024xf32>
    %eq3A_159 = arith.cmpf oeq, %select_n3A_154, %eq3A_158 : vector<1024x1024xf32>
    %jit3A_160 = arith.constant 1.024000e+03 : f32
    %broadcast_in_dim3A_161 = vector.broadcast %jit3A_160 : f32 to vector<1024x1024xf32>
    %select_n3A_162 = arith.select %eq3A_159, %convert_element_type3A, %broadcast_in_dim3A_161 : vector<1024x1024xi1>, vector<1024x1024xf32>
    %reduce_min3A_163 = arith.constant dense<0x7F800000> : vector<1024xf32>
    %reduce_min3A_164 = vector.multi_reduction <minimumf>, %select_n3A_162, %reduce_min3A_163 [1] : vector<1024x1024xf32> to vector<1024xf32>
    %broadcast_in_dim3A_165 = vector.shape_cast %reduce_min3A_164 : vector<1024xf32> to vector<1024x1xf32>
    %broadcast_in_dim3A_166 = arith.constant 0.000000e+00 : f32
    %broadcast_in_dim3A_167 = vector.broadcast %broadcast_in_dim3A_166 : f32 to vector<1024x1xf32>
    %concatenate3A = tpu.concatenate %broadcast_in_dim3A_37, %broadcast_in_dim3A_53, %broadcast_in_dim3A_69, %broadcast_in_dim3A_85, %broadcast_in_dim3A_101, %broadcast_in_dim3A_117, %broadcast_in_dim3A_133, %broadcast_in_dim3A_149, %broadcast_in_dim3A_165, %broadcast_in_dim3A_167, %broadcast_in_dim3A_167, %broadcast_in_dim3A_167, %broadcast_in_dim3A_167, %broadcast_in_dim3A_167, %broadcast_in_dim3A_167, %broadcast_in_dim3A_167 in 1 : vector<1024x1xf32>, vector<1024x1xf32>, vector<1024x1xf32>, vector<1024x1xf32>, vector<1024x1xf32>, vector<1024x1xf32>, vector<1024x1xf32>, vector<1024x1xf32>, vector<1024x1xf32>, vector<1024x1xf32>, vector<1024x1xf32>, vector<1024x1xf32>, vector<1024x1xf32>, vector<1024x1xf32>, vector<1024x1xf32>, vector<1024x1xf32> -> vector<1024x16xf32>
    %convert_element_type3A_168 = arith.fptosi %concatenate3A : vector<1024x16xf32> to vector<1024x16xi32>
    %transpose3A = tpu.transpose %convert_element_type3A_168, [1, 0] : vector<1024x16xi32> -> vector<16x1024xi32>
    %swap3A = arith.constant 0 : index
    %swap3A_169 = arith.constant 0 : index
    %swap3A_170 = vector.load %arg4[%swap3A, %swap3A_169] : memref<16x1024xi32, #tpu.memory_space<vmem>>, vector<16x1024xi32>
    tpu.vector_store %arg4[%swap3A, %swap3A_169], %transpose3A {strides = array<i32>} : memref<16x1024xi32, #tpu.memory_space<vmem>>, vector<16x1024xi32>,
    return
  }
  func.func @transform_0(%arg0: i32, %arg1: i32) -> (i32, i32, i32) {
    %c0_i32 = arith.constant 0 : i32
    %c0_i32_0 = arith.constant 0 : i32
    return %arg0, %arg1, %c0_i32 : i32, i32, i32
  }
  func.func @transform_1(%arg0: i32, %arg1: i32) -> (i32, i32, i32) {
    %c0_i32 = arith.constant 0 : i32
    %c0_i32_0 = arith.constant 0 : i32
    %c0_i32_1 = arith.constant 0 : i32
    return %arg0, %c0_i32, %c0_i32_0 : i32, i32, i32
  }
  func.func @transform_2(%arg0: i32, %arg1: i32) -> (i32, i32) {
    %c0_i32 = arith.constant 0 : i32
    %c0_i32_0 = arith.constant 0 : i32
    return %c0_i32, %arg1 : i32, i32
  }
}

module attributes {stable_mosaic.version = 14 : i64} {
  func.func @_dense_body(%arg0: i32, %arg1: memref<9x256x128xf32, #tpu.memory_space<vmem>>, %arg2: memref<256x3xf32, #tpu.memory_space<vmem>>, %arg3: memref<256x64xf32, #tpu.memory_space<vmem>>, %arg4: memref<3x128xf32, #tpu.memory_space<vmem>>, %arg5: memref<1x128xf32, #tpu.memory_space<vmem>>, %arg6: memref<128x128xf32, #tpu.memory_space<vmem>>, %arg7: memref<1x128xf32, #tpu.memory_space<vmem>>, %arg8: memref<128x128xf32, #tpu.memory_space<vmem>>, %arg9: memref<1x128xf32, #tpu.memory_space<vmem>>, %arg10: memref<64x512xf32, #tpu.memory_space<vmem>>, %arg11: memref<1x512xf32, #tpu.memory_space<vmem>>, %arg12: memref<64x1024xf32, #tpu.memory_space<vmem>>, %arg13: memref<1x1024xf32, #tpu.memory_space<vmem>>, %arg14: memref<64x64xf32, #tpu.memory_space<vmem>>, %arg15: memref<1x64xf32, #tpu.memory_space<vmem>>, %arg16: memref<64x128xf32, #tpu.memory_space<vmem>>, %arg17: memref<1x128xf32, #tpu.memory_space<vmem>>, %arg18: memref<64x64xf32, #tpu.memory_space<vmem>>, %arg19: memref<1x64xf32, #tpu.memory_space<vmem>>, %arg20: memref<64x1024xf32, #tpu.memory_space<vmem>>, %arg21: memref<1x1024xf32, #tpu.memory_space<vmem>>, %arg22: memref<256x256xf32, #tpu.memory_space<vmem>>, %arg23: memref<1x256xf32, #tpu.memory_space<vmem>>, %arg24: memref<256x256xf32, #tpu.memory_space<vmem>>, %arg25: memref<1x256xf32, #tpu.memory_space<vmem>>, %arg26: memref<512x64xf32, #tpu.memory_space<vmem>>, %arg27: memref<1x64xf32, #tpu.memory_space<vmem>>, %arg28: memref<512x8xf32, #tpu.memory_space<vmem>>, %arg29: memref<8x512xf32, #tpu.memory_space<vmem>>, %arg30: memref<64x64xf32, #tpu.memory_space<vmem>>, %arg31: memref<256x256xf32, #tpu.memory_space<vmem>>, %arg32: memref<256x64xf32, #tpu.memory_space<vmem>>) attributes {dimension_semantics = [#tpu.dimension_semantics<arbitrary>], iteration_bounds = array<i64: 8>, scalar_prefetch = 0 : i64, scratch_operands = 0 : i64, tpu.core_type = #tpu.core_type<tc>, window_params = [{transform_indices = @transform_0, window_bounds = array<i64: 9, 256, 128>}, {transform_indices = @transform_1, window_bounds = array<i64: 256, 3>}, {transform_indices = @transform_2, window_bounds = array<i64: 256, 64>}, {pipeline_mode = #tpu.pipeline_mode<synchronous>, transform_indices = @transform_3, window_bounds = array<i64: 3, 128>}, {pipeline_mode = #tpu.pipeline_mode<synchronous>, transform_indices = @transform_4, window_bounds = array<i64: 1, 128>}, {pipeline_mode = #tpu.pipeline_mode<synchronous>, transform_indices = @transform_5, window_bounds = array<i64: 128, 128>}, {pipeline_mode = #tpu.pipeline_mode<synchronous>, transform_indices = @transform_6, window_bounds = array<i64: 1, 128>}, {pipeline_mode = #tpu.pipeline_mode<synchronous>, transform_indices = @transform_7, window_bounds = array<i64: 128, 128>}, {pipeline_mode = #tpu.pipeline_mode<synchronous>, transform_indices = @transform_8, window_bounds = array<i64: 1, 128>}, {pipeline_mode = #tpu.pipeline_mode<synchronous>, transform_indices = @transform_9, window_bounds = array<i64: 64, 512>}, {pipeline_mode = #tpu.pipeline_mode<synchronous>, transform_indices = @transform_10, window_bounds = array<i64: 1, 512>}, {pipeline_mode = #tpu.pipeline_mode<synchronous>, transform_indices = @transform_11, window_bounds = array<i64: 64, 1024>}, {pipeline_mode = #tpu.pipeline_mode<synchronous>, transform_indices = @transform_12, window_bounds = array<i64: 1, 1024>}, {pipeline_mode = #tpu.pipeline_mode<synchronous>, transform_indices = @transform_13, window_bounds = array<i64: 64, 64>}, {pipeline_mode = #tpu.pipeline_mode<synchronous>, transform_indices = @transform_14, window_bounds = array<i64: 1, 64>}, {pipeline_mode = #tpu.pipeline_mode<synchronous>, transform_indices = @transform_15, window_bounds = array<i64: 64, 128>}, {pipeline_mode = #tpu.pipeline_mode<synchronous>, transform_indices = @transform_16, window_bounds = array<i64: 1, 128>}, {pipeline_mode = #tpu.pipeline_mode<synchronous>, transform_indices = @transform_17, window_bounds = array<i64: 64, 64>}, {pipeline_mode = #tpu.pipeline_mode<synchronous>, transform_indices = @transform_18, window_bounds = array<i64: 1, 64>}, {pipeline_mode = #tpu.pipeline_mode<synchronous>, transform_indices = @transform_19, window_bounds = array<i64: 64, 1024>}, {pipeline_mode = #tpu.pipeline_mode<synchronous>, transform_indices = @transform_20, window_bounds = array<i64: 1, 1024>}, {pipeline_mode = #tpu.pipeline_mode<synchronous>, transform_indices = @transform_21, window_bounds = array<i64: 256, 256>}, {pipeline_mode = #tpu.pipeline_mode<synchronous>, transform_indices = @transform_22, window_bounds = array<i64: 1, 256>}, {pipeline_mode = #tpu.pipeline_mode<synchronous>, transform_indices = @transform_23, window_bounds = array<i64: 256, 256>}, {pipeline_mode = #tpu.pipeline_mode<synchronous>, transform_indices = @transform_24, window_bounds = array<i64: 1, 256>}, {pipeline_mode = #tpu.pipeline_mode<synchronous>, transform_indices = @transform_25, window_bounds = array<i64: 512, 64>}, {pipeline_mode = #tpu.pipeline_mode<synchronous>, transform_indices = @transform_26, window_bounds = array<i64: 1, 64>}, {pipeline_mode = #tpu.pipeline_mode<synchronous>, transform_indices = @transform_27, window_bounds = array<i64: 512, 8>}, {pipeline_mode = #tpu.pipeline_mode<synchronous>, transform_indices = @transform_28, window_bounds = array<i64: 8, 512>}, {pipeline_mode = #tpu.pipeline_mode<synchronous>, transform_indices = @transform_29, window_bounds = array<i64: 64, 64>}, {pipeline_mode = #tpu.pipeline_mode<synchronous>, transform_indices = @transform_30, window_bounds = array<i64: 256, 256>}, {transform_indices = @transform_31, window_bounds = array<i64: 256, 64>}]} {
    %get3A = arith.constant 0 : index
    %get3A_0 = arith.constant 0 : index
    %get3A_1 = arith.constant 0 : index
    %get3A_2 = vector.load %arg1[%get3A, %get3A_0, %get3A_1] : memref<9x256x128xf32, #tpu.memory_space<vmem>>, vector<9x256x128xf32>
    %reshape3A = vector.shape_cast %get3A_2 : vector<9x256x128xf32> to vector<2304x128xf32>
    %slice3A = vector.extract_strided_slice %reshape3A {offsets = [0, 0], sizes = [2304, 64], strides = [1, 1]} : vector<2304x128xf32> to vector<2304x64xf32>
    %slice3A_3 = vector.extract_strided_slice %reshape3A {offsets = [0, 64], sizes = [2304, 3], strides = [1, 1]} : vector<2304x128xf32> to vector<2304x3xf32>
    %get3A_4 = arith.constant 0 : index
    %get3A_5 = arith.constant 0 : index
    %get3A_6 = vector.load %arg2[%get3A_4, %get3A_5] : memref<256x3xf32, #tpu.memory_space<vmem>>, vector<256x3xf32>
    %concatenate3A = tpu.concatenate %get3A_6, %get3A_6, %get3A_6, %get3A_6, %get3A_6, %get3A_6, %get3A_6, %get3A_6, %get3A_6 in 0 : vector<256x3xf32>, vector<256x3xf32>, vector<256x3xf32>, vector<256x3xf32>, vector<256x3xf32>, vector<256x3xf32>, vector<256x3xf32>, vector<256x3xf32>, vector<256x3xf32> -> vector<2304x3xf32>
    %sub3A = arith.subf %concatenate3A, %slice3A_3 : vector<2304x3xf32>
    %slice3A_7 = vector.extract_strided_slice %sub3A {offsets = [0, 0], sizes = [2304, 1], strides = [1, 1]} : vector<2304x3xf32> to vector<2304x1xf32>
    %get3A_8 = arith.constant 0 : index
    %get3A_9 = arith.constant 0 : index
    %get3A_10 = vector.load %arg4[%get3A_8, %get3A_9] : memref<3x128xf32, #tpu.memory_space<vmem>>, vector<1x128xf32>
    %mul3A = vector.broadcast %slice3A_7 : vector<2304x1xf32> to vector<2304x128xf32>
    %mul3A_11 = vector.broadcast %get3A_10 : vector<1x128xf32> to vector<2304x128xf32>
    %mul3A_12 = arith.mulf %mul3A, %mul3A_11 : vector<2304x128xf32>
    %slice3A_13 = vector.extract_strided_slice %sub3A {offsets = [0, 1], sizes = [2304, 1], strides = [1, 1]} : vector<2304x3xf32> to vector<2304x1xf32>
    %get3A_14 = arith.constant 1 : index
    %get3A_15 = arith.constant 0 : index
    %get3A_16 = vector.load %arg4[%get3A_14, %get3A_15] : memref<3x128xf32, #tpu.memory_space<vmem>>, vector<1x128xf32>
    %mul3A_17 = vector.broadcast %slice3A_13 : vector<2304x1xf32> to vector<2304x128xf32>
    %mul3A_18 = vector.broadcast %get3A_16 : vector<1x128xf32> to vector<2304x128xf32>
    %mul3A_19 = arith.mulf %mul3A_17, %mul3A_18 : vector<2304x128xf32>
    %add3A = arith.addf %mul3A_12, %mul3A_19 : vector<2304x128xf32>
    %slice3A_20 = vector.extract_strided_slice %sub3A {offsets = [0, 2], sizes = [2304, 1], strides = [1, 1]} : vector<2304x3xf32> to vector<2304x1xf32>
    %get3A_21 = arith.constant 2 : index
    %get3A_22 = arith.constant 0 : index
    %get3A_23 = vector.load %arg4[%get3A_21, %get3A_22] : memref<3x128xf32, #tpu.memory_space<vmem>>, vector<1x128xf32>
    %mul3A_24 = vector.broadcast %slice3A_20 : vector<2304x1xf32> to vector<2304x128xf32>
    %mul3A_25 = vector.broadcast %get3A_23 : vector<1x128xf32> to vector<2304x128xf32>
    %mul3A_26 = arith.mulf %mul3A_24, %mul3A_25 : vector<2304x128xf32>
    %add3A_27 = arith.addf %add3A, %mul3A_26 : vector<2304x128xf32>
    %get3A_28 = arith.constant 0 : index
    %get3A_29 = arith.constant 0 : index
    %get3A_30 = vector.load %arg5[%get3A_28, %get3A_29] : memref<1x128xf32, #tpu.memory_space<vmem>>, vector<1x128xf32>
    %add3A_31 = vector.broadcast %get3A_30 : vector<1x128xf32> to vector<2304x128xf32>
    %add3A_32 = arith.addf %add3A_27, %add3A_31 : vector<2304x128xf32>
    %mul3A_33 = arith.constant 0.318309873 : f32
    %mul3A_34 = vector.broadcast %mul3A_33 : f32 to vector<2304x128xf32>
    %mul3A_35 = arith.mulf %add3A_32, %mul3A_34 : vector<2304x128xf32>
    %add3A_36 = arith.constant 5.000000e-01 : f32
    %add3A_37 = vector.broadcast %add3A_36 : f32 to vector<2304x128xf32>
    %add3A_38 = arith.addf %mul3A_35, %add3A_37 : vector<2304x128xf32>
    %floor3A = math.floor %add3A_38 : vector<2304x128xf32>
    %mul3A_39 = arith.constant 3.140625 : f32
    %mul3A_40 = vector.broadcast %mul3A_39 : f32 to vector<2304x128xf32>
    %mul3A_41 = arith.mulf %floor3A, %mul3A_40 : vector<2304x128xf32>
    %sub3A_42 = arith.subf %add3A_32, %mul3A_41 : vector<2304x128xf32>
    %mul3A_43 = arith.constant 9.67653584E-4 : f32
    %mul3A_44 = vector.broadcast %mul3A_43 : f32 to vector<2304x128xf32>
    %mul3A_45 = arith.mulf %floor3A, %mul3A_44 : vector<2304x128xf32>
    %sub3A_46 = arith.subf %sub3A_42, %mul3A_45 : vector<2304x128xf32>
    %mul3A_47 = arith.constant 5.000000e-01 : f32
    %mul3A_48 = vector.broadcast %mul3A_47 : f32 to vector<2304x128xf32>
    %mul3A_49 = arith.mulf %floor3A, %mul3A_48 : vector<2304x128xf32>
    %floor3A_50 = math.floor %mul3A_49 : vector<2304x128xf32>
    %mul3A_51 = arith.constant 2.000000e+00 : f32
    %mul3A_52 = vector.broadcast %mul3A_51 : f32 to vector<2304x128xf32>
    %mul3A_53 = arith.mulf %floor3A_50, %mul3A_52 : vector<2304x128xf32>
    %ne3A = arith.cmpf one, %mul3A_53, %floor3A : vector<2304x128xf32>
    %mul3A_54 = arith.mulf %sub3A_46, %sub3A_46 : vector<2304x128xf32>
    %mul3A_55 = arith.constant -2.50521079E-8 : f32
    %mul3A_56 = vector.broadcast %mul3A_55 : f32 to vector<2304x128xf32>
    %mul3A_57 = arith.mulf %mul3A_56, %mul3A_54 : vector<2304x128xf32>
    %add3A_58 = arith.constant 2.75573188E-6 : f32
    %add3A_59 = vector.broadcast %add3A_58 : f32 to vector<2304x128xf32>
    %add3A_60 = arith.addf %mul3A_57, %add3A_59 : vector<2304x128xf32>
    %mul3A_61 = arith.mulf %add3A_60, %mul3A_54 : vector<2304x128xf32>
    %sub3A_62 = arith.constant 1.98412701E-4 : f32
    %sub3A_63 = vector.broadcast %sub3A_62 : f32 to vector<2304x128xf32>
    %sub3A_64 = arith.subf %mul3A_61, %sub3A_63 : vector<2304x128xf32>
    %mul3A_65 = arith.mulf %sub3A_64, %mul3A_54 : vector<2304x128xf32>
    %add3A_66 = arith.constant 0.00833333377 : f32
    %add3A_67 = vector.broadcast %add3A_66 : f32 to vector<2304x128xf32>
    %add3A_68 = arith.addf %mul3A_65, %add3A_67 : vector<2304x128xf32>
    %mul3A_69 = arith.mulf %add3A_68, %mul3A_54 : vector<2304x128xf32>
    %sub3A_70 = arith.constant 0.166666672 : f32
    %sub3A_71 = vector.broadcast %sub3A_70 : f32 to vector<2304x128xf32>
    %sub3A_72 = arith.subf %mul3A_69, %sub3A_71 : vector<2304x128xf32>
    %mul3A_73 = arith.mulf %mul3A_54, %sub3A_72 : vector<2304x128xf32>
    %mul3A_74 = arith.mulf %sub3A_46, %mul3A_73 : vector<2304x128xf32>
    %add3A_75 = arith.addf %sub3A_46, %mul3A_74 : vector<2304x128xf32>
    %neg3A = arith.constant 0.000000e+00 : f32
    %neg3A_76 = vector.broadcast %neg3A : f32 to vector<2304x128xf32>
    %neg3A_77 = arith.subf %neg3A_76, %add3A_75 : vector<2304x128xf32>
    %select_n3A = arith.select %ne3A, %neg3A_77, %add3A_75 : vector<2304x128xi1>, vector<2304x128xf32>
    %get3A_78 = arith.constant 0 : index
    %get3A_79 = arith.constant 0 : index
    %get3A_80 = vector.load %arg6[%get3A_78, %get3A_79] : memref<128x128xf32, #tpu.memory_space<vmem>>, vector<128x128xf32>
    %dot_general3A = arith.constant dense<0.000000e+00> : vector<2304x128xf32>
    %dot_general3A_81 = tpu.matmul %select_n3A, %get3A_80, %dot_general3A {dimension_numbers = #tpu.dot_dimension_numbers<[1], [0], [0], [1], [0, 0, 1, 1], [], []>, transpose_lhs_hint = false} : vector<2304x128xf32>, vector<128x128xf32>, vector<2304x128xf32> -> vector<2304x128xf32>
    %get3A_82 = arith.constant 0 : index
    %get3A_83 = arith.constant 0 : index
    %get3A_84 = vector.load %arg7[%get3A_82, %get3A_83] : memref<1x128xf32, #tpu.memory_space<vmem>>, vector<1x128xf32>
    %add3A_85 = vector.broadcast %get3A_84 : vector<1x128xf32> to vector<2304x128xf32>
    %add3A_86 = arith.addf %dot_general3A_81, %add3A_85 : vector<2304x128xf32>
    %mul3A_87 = arith.mulf %add3A_86, %add3A_86 : vector<2304x128xf32>
    %mul3A_88 = arith.mulf %mul3A_87, %add3A_86 : vector<2304x128xf32>
    %mul3A_89 = arith.constant 4.471500e-02 : f32
    %mul3A_90 = vector.broadcast %mul3A_89 : f32 to vector<2304x128xf32>
    %mul3A_91 = arith.mulf %mul3A_90, %mul3A_88 : vector<2304x128xf32>
    %add3A_92 = arith.addf %add3A_86, %mul3A_91 : vector<2304x128xf32>
    %mul3A_93 = arith.constant 0.797884583 : f32
    %mul3A_94 = vector.broadcast %mul3A_93 : f32 to vector<2304x128xf32>
    %mul3A_95 = arith.mulf %mul3A_94, %add3A_92 : vector<2304x128xf32>
    %tanh3A = math.tanh %mul3A_95 : vector<2304x128xf32>
    %mul3A_96 = arith.mulf %add3A_86, %tanh3A : vector<2304x128xf32>
    %add3A_97 = arith.addf %add3A_86, %mul3A_96 : vector<2304x128xf32>
    %get3A_98 = arith.constant 0 : index
    %get3A_99 = arith.constant 0 : index
    %get3A_100 = vector.load %arg8[%get3A_98, %get3A_99] : memref<128x128xf32, #tpu.memory_space<vmem>>, vector<128x128xf32>
    %dot_general3A_101 = arith.constant dense<0.000000e+00> : vector<2304x128xf32>
    %dot_general3A_102 = tpu.matmul %add3A_97, %get3A_100, %dot_general3A_101 {dimension_numbers = #tpu.dot_dimension_numbers<[1], [0], [0], [1], [0, 0, 1, 1], [], []>, transpose_lhs_hint = false} : vector<2304x128xf32>, vector<128x128xf32>, vector<2304x128xf32> -> vector<2304x128xf32>
    %get3A_103 = arith.constant 0 : index
    %get3A_104 = arith.constant 0 : index
    %get3A_105 = vector.load %arg9[%get3A_103, %get3A_104] : memref<1x128xf32, #tpu.memory_space<vmem>>, vector<1x128xf32>
    %add3A_106 = vector.broadcast %get3A_105 : vector<1x128xf32> to vector<2304x128xf32>
    %add3A_107 = arith.addf %dot_general3A_102, %add3A_106 : vector<2304x128xf32>
    %slice3A_108 = vector.extract_strided_slice %add3A_107 {offsets = [0, 0], sizes = [2304, 64], strides = [1, 1]} : vector<2304x128xf32> to vector<2304x64xf32>
    %slice3A_109 = vector.extract_strided_slice %add3A_107 {offsets = [0, 64], sizes = [2304, 64], strides = [1, 1]} : vector<2304x128xf32> to vector<2304x64xf32>
    %get3A_110 = arith.constant 0 : index
    %get3A_111 = arith.constant 0 : index
    %get3A_112 = vector.load %arg10[%get3A_110, %get3A_111] : memref<64x512xf32, #tpu.memory_space<vmem>>, vector<64x512xf32>
    %dot_general3A_113 = arith.constant dense<0.000000e+00> : vector<2304x512xf32>
    %dot_general3A_114 = tpu.matmul %slice3A_108, %get3A_112, %dot_general3A_113 {dimension_numbers = #tpu.dot_dimension_numbers<[1], [0], [0], [1], [0, 0, 1, 1], [], []>, transpose_lhs_hint = false} : vector<2304x64xf32>, vector<64x512xf32>, vector<2304x512xf32> -> vector<2304x512xf32>
    %get3A_115 = arith.constant 0 : index
    %get3A_116 = arith.constant 0 : index
    %get3A_117 = vector.load %arg11[%get3A_115, %get3A_116] : memref<1x512xf32, #tpu.memory_space<vmem>>, vector<1x512xf32>
    %add3A_118 = vector.broadcast %get3A_117 : vector<1x512xf32> to vector<2304x512xf32>
    %add3A_119 = arith.addf %dot_general3A_114, %add3A_118 : vector<2304x512xf32>
    %get3A_120 = arith.constant 0 : index
    %get3A_121 = arith.constant 0 : index
    %get3A_122 = vector.load %arg12[%get3A_120, %get3A_121] : memref<64x1024xf32, #tpu.memory_space<vmem>>, vector<64x1024xf32>
    %dot_general3A_123 = arith.constant dense<0.000000e+00> : vector<2304x1024xf32>
    %dot_general3A_124 = tpu.matmul %slice3A, %get3A_122, %dot_general3A_123 {dimension_numbers = #tpu.dot_dimension_numbers<[1], [0], [0], [1], [0, 0, 1, 1], [], []>, transpose_lhs_hint = false} : vector<2304x64xf32>, vector<64x1024xf32>, vector<2304x1024xf32> -> vector<2304x1024xf32>
    %get3A_125 = arith.constant 0 : index
    %get3A_126 = arith.constant 0 : index
    %get3A_127 = vector.load %arg13[%get3A_125, %get3A_126] : memref<1x1024xf32, #tpu.memory_space<vmem>>, vector<1x1024xf32>
    %add3A_128 = vector.broadcast %get3A_127 : vector<1x1024xf32> to vector<2304x1024xf32>
    %add3A_129 = arith.addf %dot_general3A_124, %add3A_128 : vector<2304x1024xf32>
    %slice3A_130 = vector.extract_strided_slice %add3A_129 {offsets = [0, 0], sizes = [2304, 512], strides = [1, 1]} : vector<2304x1024xf32> to vector<2304x512xf32>
    %slice3A_131 = vector.extract_strided_slice %add3A_129 {offsets = [0, 512], sizes = [2304, 512], strides = [1, 1]} : vector<2304x1024xf32> to vector<2304x512xf32>
    %get3A_132 = arith.constant 0 : index
    %get3A_133 = arith.constant 0 : index
    %get3A_134 = vector.load %arg3[%get3A_132, %get3A_133] : memref<256x64xf32, #tpu.memory_space<vmem>>, vector<256x64xf32>
    %get3A_135 = arith.constant 0 : index
    %get3A_136 = arith.constant 0 : index
    %get3A_137 = vector.load %arg14[%get3A_135, %get3A_136] : memref<64x64xf32, #tpu.memory_space<vmem>>, vector<64x64xf32>
    %dot_general3A_138 = arith.constant dense<0.000000e+00> : vector<256x64xf32>
    %dot_general3A_139 = tpu.matmul %get3A_134, %get3A_137, %dot_general3A_138 {dimension_numbers = #tpu.dot_dimension_numbers<[1], [0], [0], [1], [0, 0, 1, 1], [], []>, transpose_lhs_hint = false} : vector<256x64xf32>, vector<64x64xf32>, vector<256x64xf32> -> vector<256x64xf32>
    %get3A_140 = arith.constant 0 : index
    %get3A_141 = arith.constant 0 : index
    %get3A_142 = vector.load %arg15[%get3A_140, %get3A_141] : memref<1x64xf32, #tpu.memory_space<vmem>>, vector<1x64xf32>
    %add3A_143 = vector.broadcast %get3A_142 : vector<1x64xf32> to vector<256x64xf32>
    %add3A_144 = arith.addf %dot_general3A_139, %add3A_143 : vector<256x64xf32>
    %mul3A_145 = arith.mulf %add3A_144, %add3A_144 : vector<256x64xf32>
    %mul3A_146 = arith.mulf %mul3A_145, %add3A_144 : vector<256x64xf32>
    %mul3A_147 = arith.constant 4.471500e-02 : f32
    %mul3A_148 = vector.broadcast %mul3A_147 : f32 to vector<256x64xf32>
    %mul3A_149 = arith.mulf %mul3A_148, %mul3A_146 : vector<256x64xf32>
    %add3A_150 = arith.addf %add3A_144, %mul3A_149 : vector<256x64xf32>
    %mul3A_151 = arith.constant 0.797884583 : f32
    %mul3A_152 = vector.broadcast %mul3A_151 : f32 to vector<256x64xf32>
    %mul3A_153 = arith.mulf %mul3A_152, %add3A_150 : vector<256x64xf32>
    %tanh3A_154 = math.tanh %mul3A_153 : vector<256x64xf32>
    %mul3A_155 = arith.mulf %add3A_144, %tanh3A_154 : vector<256x64xf32>
    %add3A_156 = arith.addf %add3A_144, %mul3A_155 : vector<256x64xf32>
    %get3A_157 = arith.constant 0 : index
    %get3A_158 = arith.constant 0 : index
    %get3A_159 = vector.load %arg30[%get3A_157, %get3A_158] : memref<64x64xf32, #tpu.memory_space<vmem>>, vector<64x64xf32>
    %dot_general3A_160 = arith.constant dense<0.000000e+00> : vector<256x64xf32>
    %dot_general3A_161 = tpu.matmul %add3A_156, %get3A_159, %dot_general3A_160 {dimension_numbers = #tpu.dot_dimension_numbers<[1], [0], [0], [1], [0, 0, 1, 1], [], []>, transpose_lhs_hint = false} : vector<256x64xf32>, vector<64x64xf32>, vector<256x64xf32> -> vector<256x64xf32>
    %sub3A_162 = arith.subf %add3A_156, %dot_general3A_161 : vector<256x64xf32>
    %mul3A_163 = arith.mulf %sub3A_162, %sub3A_162 : vector<256x64xf32>
    %get3A_164 = arith.constant 0 : index
    %get3A_165 = arith.constant 0 : index
    %get3A_166 = vector.load %arg30[%get3A_164, %get3A_165] : memref<64x64xf32, #tpu.memory_space<vmem>>, vector<64x64xf32>
    %dot_general3A_167 = arith.constant dense<0.000000e+00> : vector<256x64xf32>
    %dot_general3A_168 = tpu.matmul %mul3A_163, %get3A_166, %dot_general3A_167 {dimension_numbers = #tpu.dot_dimension_numbers<[1], [0], [0], [1], [0, 0, 1, 1], [], []>, transpose_lhs_hint = false} : vector<256x64xf32>, vector<64x64xf32>, vector<256x64xf32> -> vector<256x64xf32>
    %add3A_169 = arith.constant 9.99999997E-7 : f32
    %add3A_170 = vector.broadcast %add3A_169 : f32 to vector<256x64xf32>
    %add3A_171 = arith.addf %dot_general3A_168, %add3A_170 : vector<256x64xf32>
    %rsqrt3A = math.rsqrt %add3A_171 : vector<256x64xf32>
    %mul3A_172 = arith.mulf %sub3A_162, %rsqrt3A : vector<256x64xf32>
    %get3A_173 = arith.constant 0 : index
    %get3A_174 = arith.constant 0 : index
    %get3A_175 = vector.load %arg16[%get3A_173, %get3A_174] : memref<64x128xf32, #tpu.memory_space<vmem>>, vector<64x128xf32>
    %dot_general3A_176 = arith.constant dense<0.000000e+00> : vector<256x128xf32>
    %dot_general3A_177 = tpu.matmul %mul3A_172, %get3A_175, %dot_general3A_176 {dimension_numbers = #tpu.dot_dimension_numbers<[1], [0], [0], [1], [0, 0, 1, 1], [], []>, transpose_lhs_hint = false} : vector<256x64xf32>, vector<64x128xf32>, vector<256x128xf32> -> vector<256x128xf32>
    %get3A_178 = arith.constant 0 : index
    %get3A_179 = arith.constant 0 : index
    %get3A_180 = vector.load %arg17[%get3A_178, %get3A_179] : memref<1x128xf32, #tpu.memory_space<vmem>>, vector<1x128xf32>
    %add3A_181 = vector.broadcast %get3A_180 : vector<1x128xf32> to vector<256x128xf32>
    %add3A_182 = arith.addf %dot_general3A_177, %add3A_181 : vector<256x128xf32>
    %slice3A_183 = vector.extract_strided_slice %add3A_182 {offsets = [0, 0], sizes = [256, 64], strides = [1, 1]} : vector<256x128xf32> to vector<256x64xf32>
    %concatenate3A_184 = tpu.concatenate %slice3A_183, %slice3A_183, %slice3A_183, %slice3A_183, %slice3A_183, %slice3A_183, %slice3A_183, %slice3A_183, %slice3A_183 in 0 : vector<256x64xf32>, vector<256x64xf32>, vector<256x64xf32>, vector<256x64xf32>, vector<256x64xf32>, vector<256x64xf32>, vector<256x64xf32>, vector<256x64xf32>, vector<256x64xf32> -> vector<2304x64xf32>
    %slice3A_185 = vector.extract_strided_slice %add3A_182 {offsets = [0, 64], sizes = [256, 64], strides = [1, 1]} : vector<256x128xf32> to vector<256x64xf32>
    %concatenate3A_186 = tpu.concatenate %slice3A_185, %slice3A_185, %slice3A_185, %slice3A_185, %slice3A_185, %slice3A_185, %slice3A_185, %slice3A_185, %slice3A_185 in 0 : vector<256x64xf32>, vector<256x64xf32>, vector<256x64xf32>, vector<256x64xf32>, vector<256x64xf32>, vector<256x64xf32>, vector<256x64xf32>, vector<256x64xf32>, vector<256x64xf32> -> vector<2304x64xf32>
    %add3A_187 = arith.constant 1.000000e+00 : f32
    %add3A_188 = vector.broadcast %add3A_187 : f32 to vector<2304x64xf32>
    %add3A_189 = arith.addf %add3A_188, %concatenate3A_184 : vector<2304x64xf32>
    %mul3A_190 = arith.mulf %slice3A_109, %add3A_189 : vector<2304x64xf32>
    %add3A_191 = arith.addf %mul3A_190, %concatenate3A_186 : vector<2304x64xf32>
    %get3A_192 = arith.constant 0 : index
    %get3A_193 = arith.constant 0 : index
    %get3A_194 = vector.load %arg18[%get3A_192, %get3A_193] : memref<64x64xf32, #tpu.memory_space<vmem>>, vector<64x64xf32>
    %dot_general3A_195 = arith.constant dense<0.000000e+00> : vector<2304x64xf32>
    %dot_general3A_196 = tpu.matmul %add3A_191, %get3A_194, %dot_general3A_195 {dimension_numbers = #tpu.dot_dimension_numbers<[1], [0], [0], [1], [0, 0, 1, 1], [], []>, transpose_lhs_hint = false} : vector<2304x64xf32>, vector<64x64xf32>, vector<2304x64xf32> -> vector<2304x64xf32>
    %get3A_197 = arith.constant 0 : index
    %get3A_198 = arith.constant 0 : index
    %get3A_199 = vector.load %arg19[%get3A_197, %get3A_198] : memref<1x64xf32, #tpu.memory_space<vmem>>, vector<1x64xf32>
    %add3A_200 = vector.broadcast %get3A_199 : vector<1x64xf32> to vector<2304x64xf32>
    %add3A_201 = arith.addf %dot_general3A_196, %add3A_200 : vector<2304x64xf32>
    %mul3A_202 = arith.mulf %add3A_201, %add3A_201 : vector<2304x64xf32>
    %mul3A_203 = arith.mulf %mul3A_202, %add3A_201 : vector<2304x64xf32>
    %mul3A_204 = arith.constant 4.471500e-02 : f32
    %mul3A_205 = vector.broadcast %mul3A_204 : f32 to vector<2304x64xf32>
    %mul3A_206 = arith.mulf %mul3A_205, %mul3A_203 : vector<2304x64xf32>
    %add3A_207 = arith.addf %add3A_201, %mul3A_206 : vector<2304x64xf32>
    %mul3A_208 = arith.constant 0.797884583 : f32
    %mul3A_209 = vector.broadcast %mul3A_208 : f32 to vector<2304x64xf32>
    %mul3A_210 = arith.mulf %mul3A_209, %add3A_207 : vector<2304x64xf32>
    %tanh3A_211 = math.tanh %mul3A_210 : vector<2304x64xf32>
    %mul3A_212 = arith.mulf %add3A_201, %tanh3A_211 : vector<2304x64xf32>
    %add3A_213 = arith.addf %add3A_201, %mul3A_212 : vector<2304x64xf32>
    %get3A_214 = arith.constant 0 : index
    %get3A_215 = arith.constant 0 : index
    %get3A_216 = vector.load %arg30[%get3A_214, %get3A_215] : memref<64x64xf32, #tpu.memory_space<vmem>>, vector<64x64xf32>
    %dot_general3A_217 = arith.constant dense<0.000000e+00> : vector<2304x64xf32>
    %dot_general3A_218 = tpu.matmul %add3A_213, %get3A_216, %dot_general3A_217 {dimension_numbers = #tpu.dot_dimension_numbers<[1], [0], [0], [1], [0, 0, 1, 1], [], []>, transpose_lhs_hint = false} : vector<2304x64xf32>, vector<64x64xf32>, vector<2304x64xf32> -> vector<2304x64xf32>
    %sub3A_219 = arith.subf %add3A_213, %dot_general3A_218 : vector<2304x64xf32>
    %mul3A_220 = arith.mulf %sub3A_219, %sub3A_219 : vector<2304x64xf32>
    %get3A_221 = arith.constant 0 : index
    %get3A_222 = arith.constant 0 : index
    %get3A_223 = vector.load %arg30[%get3A_221, %get3A_222] : memref<64x64xf32, #tpu.memory_space<vmem>>, vector<64x64xf32>
    %dot_general3A_224 = arith.constant dense<0.000000e+00> : vector<2304x64xf32>
    %dot_general3A_225 = tpu.matmul %mul3A_220, %get3A_223, %dot_general3A_224 {dimension_numbers = #tpu.dot_dimension_numbers<[1], [0], [0], [1], [0, 0, 1, 1], [], []>, transpose_lhs_hint = false} : vector<2304x64xf32>, vector<64x64xf32>, vector<2304x64xf32> -> vector<2304x64xf32>
    %add3A_226 = arith.constant 9.99999997E-7 : f32
    %add3A_227 = vector.broadcast %add3A_226 : f32 to vector<2304x64xf32>
    %add3A_228 = arith.addf %dot_general3A_225, %add3A_227 : vector<2304x64xf32>
    %rsqrt3A_229 = math.rsqrt %add3A_228 : vector<2304x64xf32>
    %mul3A_230 = arith.mulf %sub3A_219, %rsqrt3A_229 : vector<2304x64xf32>
    %get3A_231 = arith.constant 0 : index
    %get3A_232 = arith.constant 0 : index
    %get3A_233 = vector.load %arg20[%get3A_231, %get3A_232] : memref<64x1024xf32, #tpu.memory_space<vmem>>, vector<64x1024xf32>
    %dot_general3A_234 = arith.constant dense<0.000000e+00> : vector<2304x1024xf32>
    %dot_general3A_235 = tpu.matmul %mul3A_230, %get3A_233, %dot_general3A_234 {dimension_numbers = #tpu.dot_dimension_numbers<[1], [0], [0], [1], [0, 0, 1, 1], [], []>, transpose_lhs_hint = false} : vector<2304x64xf32>, vector<64x1024xf32>, vector<2304x1024xf32> -> vector<2304x1024xf32>
    %get3A_236 = arith.constant 0 : index
    %get3A_237 = arith.constant 0 : index
    %get3A_238 = vector.load %arg21[%get3A_236, %get3A_237] : memref<1x1024xf32, #tpu.memory_space<vmem>>, vector<1x1024xf32>
    %add3A_239 = vector.broadcast %get3A_238 : vector<1x1024xf32> to vector<2304x1024xf32>
    %add3A_240 = arith.addf %dot_general3A_235, %add3A_239 : vector<2304x1024xf32>
    %slice3A_241 = vector.extract_strided_slice %add3A_240 {offsets = [0, 0], sizes = [2304, 512], strides = [1, 1]} : vector<2304x1024xf32> to vector<2304x512xf32>
    %add3A_242 = arith.constant 1.000000e+00 : f32
    %add3A_243 = vector.broadcast %add3A_242 : f32 to vector<2304x512xf32>
    %add3A_244 = arith.addf %add3A_243, %slice3A_241 : vector<2304x512xf32>
    %mul3A_245 = arith.mulf %slice3A_131, %add3A_244 : vector<2304x512xf32>
    %slice3A_246 = vector.extract_strided_slice %add3A_240 {offsets = [0, 512], sizes = [2304, 512], strides = [1, 1]} : vector<2304x1024xf32> to vector<2304x512xf32>
    %add3A_247 = arith.addf %mul3A_245, %slice3A_246 : vector<2304x512xf32>
    %mul3A_248 = arith.mulf %add3A_119, %slice3A_130 : vector<2304x512xf32>
    %get3A_249 = arith.constant 0 : index
    %get3A_250 = arith.constant 0 : index
    %get3A_251 = vector.load %arg28[%get3A_249, %get3A_250] : memref<512x8xf32, #tpu.memory_space<vmem>>, vector<512x8xf32>
    %dot_general3A_252 = arith.constant dense<0.000000e+00> : vector<2304x8xf32>
    %dot_general3A_253 = tpu.matmul %mul3A_248, %get3A_251, %dot_general3A_252 {dimension_numbers = #tpu.dot_dimension_numbers<[1], [0], [0], [1], [0, 0, 1, 1], [], []>, transpose_lhs_hint = false} : vector<2304x512xf32>, vector<512x8xf32>, vector<2304x8xf32> -> vector<2304x8xf32>
    %mul3A_254 = arith.constant 1.250000e-01 : f32
    %mul3A_255 = vector.broadcast %mul3A_254 : f32 to vector<2304x8xf32>
    %mul3A_256 = arith.mulf %dot_general3A_253, %mul3A_255 : vector<2304x8xf32>
    %slice3A_257 = vector.extract_strided_slice %mul3A_256 {offsets = [0, 0], sizes = [256, 8], strides = [1, 1]} : vector<2304x8xf32> to vector<256x8xf32>
    %slice3A_258 = vector.extract_strided_slice %mul3A_256 {offsets = [256, 0], sizes = [256, 8], strides = [1, 1]} : vector<2304x8xf32> to vector<256x8xf32>
    %slice3A_259 = vector.extract_strided_slice %mul3A_256 {offsets = [512, 0], sizes = [256, 8], strides = [1, 1]} : vector<2304x8xf32> to vector<256x8xf32>
    %slice3A_260 = vector.extract_strided_slice %mul3A_256 {offsets = [768, 0], sizes = [256, 8], strides = [1, 1]} : vector<2304x8xf32> to vector<256x8xf32>
    %slice3A_261 = vector.extract_strided_slice %mul3A_256 {offsets = [1024, 0], sizes = [256, 8], strides = [1, 1]} : vector<2304x8xf32> to vector<256x8xf32>
    %slice3A_262 = vector.extract_strided_slice %mul3A_256 {offsets = [1280, 0], sizes = [256, 8], strides = [1, 1]} : vector<2304x8xf32> to vector<256x8xf32>
    %slice3A_263 = vector.extract_strided_slice %mul3A_256 {offsets = [1536, 0], sizes = [256, 8], strides = [1, 1]} : vector<2304x8xf32> to vector<256x8xf32>
    %slice3A_264 = vector.extract_strided_slice %mul3A_256 {offsets = [1792, 0], sizes = [256, 8], strides = [1, 1]} : vector<2304x8xf32> to vector<256x8xf32>
    %slice3A_265 = vector.extract_strided_slice %mul3A_256 {offsets = [2048, 0], sizes = [256, 8], strides = [1, 1]} : vector<2304x8xf32> to vector<256x8xf32>
    %max3A = arith.maximumf %slice3A_257, %slice3A_258 : vector<256x8xf32>
    %max3A_266 = arith.maximumf %max3A, %slice3A_259 : vector<256x8xf32>
    %max3A_267 = arith.maximumf %max3A_266, %slice3A_260 : vector<256x8xf32>
    %max3A_268 = arith.maximumf %max3A_267, %slice3A_261 : vector<256x8xf32>
    %max3A_269 = arith.maximumf %max3A_268, %slice3A_262 : vector<256x8xf32>
    %max3A_270 = arith.maximumf %max3A_269, %slice3A_263 : vector<256x8xf32>
    %max3A_271 = arith.maximumf %max3A_270, %slice3A_264 : vector<256x8xf32>
    %max3A_272 = arith.maximumf %max3A_271, %slice3A_265 : vector<256x8xf32>
    %sub3A_273 = arith.subf %slice3A_257, %max3A_272 : vector<256x8xf32>
    %exp3A = math.exp %sub3A_273 : vector<256x8xf32>
    %sub3A_274 = arith.subf %slice3A_258, %max3A_272 : vector<256x8xf32>
    %exp3A_275 = math.exp %sub3A_274 : vector<256x8xf32>
    %sub3A_276 = arith.subf %slice3A_259, %max3A_272 : vector<256x8xf32>
    %exp3A_277 = math.exp %sub3A_276 : vector<256x8xf32>
    %sub3A_278 = arith.subf %slice3A_260, %max3A_272 : vector<256x8xf32>
    %exp3A_279 = math.exp %sub3A_278 : vector<256x8xf32>
    %sub3A_280 = arith.subf %slice3A_261, %max3A_272 : vector<256x8xf32>
    %exp3A_281 = math.exp %sub3A_280 : vector<256x8xf32>
    %sub3A_282 = arith.subf %slice3A_262, %max3A_272 : vector<256x8xf32>
    %exp3A_283 = math.exp %sub3A_282 : vector<256x8xf32>
    %sub3A_284 = arith.subf %slice3A_263, %max3A_272 : vector<256x8xf32>
    %exp3A_285 = math.exp %sub3A_284 : vector<256x8xf32>
    %sub3A_286 = arith.subf %slice3A_264, %max3A_272 : vector<256x8xf32>
    %exp3A_287 = math.exp %sub3A_286 : vector<256x8xf32>
    %sub3A_288 = arith.subf %slice3A_265, %max3A_272 : vector<256x8xf32>
    %exp3A_289 = math.exp %sub3A_288 : vector<256x8xf32>
    %add3A_290 = arith.addf %exp3A, %exp3A_275 : vector<256x8xf32>
    %add3A_291 = arith.addf %add3A_290, %exp3A_277 : vector<256x8xf32>
    %add3A_292 = arith.addf %add3A_291, %exp3A_279 : vector<256x8xf32>
    %add3A_293 = arith.addf %add3A_292, %exp3A_281 : vector<256x8xf32>
    %add3A_294 = arith.addf %add3A_293, %exp3A_283 : vector<256x8xf32>
    %add3A_295 = arith.addf %add3A_294, %exp3A_285 : vector<256x8xf32>
    %add3A_296 = arith.addf %add3A_295, %exp3A_287 : vector<256x8xf32>
    %add3A_297 = arith.addf %add3A_296, %exp3A_289 : vector<256x8xf32>
    %div3A = arith.constant 1.000000e+00 : f32
    %div3A_298 = vector.broadcast %div3A : f32 to vector<256x8xf32>
    %div3A_299 = arith.divf %div3A_298, %add3A_297 : vector<256x8xf32>
    %mul3A_300 = arith.mulf %exp3A, %div3A_299 : vector<256x8xf32>
    %mul3A_301 = arith.mulf %exp3A_275, %div3A_299 : vector<256x8xf32>
    %mul3A_302 = arith.mulf %exp3A_277, %div3A_299 : vector<256x8xf32>
    %mul3A_303 = arith.mulf %exp3A_279, %div3A_299 : vector<256x8xf32>
    %mul3A_304 = arith.mulf %exp3A_281, %div3A_299 : vector<256x8xf32>
    %mul3A_305 = arith.mulf %exp3A_283, %div3A_299 : vector<256x8xf32>
    %mul3A_306 = arith.mulf %exp3A_285, %div3A_299 : vector<256x8xf32>
    %mul3A_307 = arith.mulf %exp3A_287, %div3A_299 : vector<256x8xf32>
    %mul3A_308 = arith.mulf %exp3A_289, %div3A_299 : vector<256x8xf32>
    %concatenate3A_309 = tpu.concatenate %mul3A_300, %mul3A_301, %mul3A_302, %mul3A_303, %mul3A_304, %mul3A_305, %mul3A_306, %mul3A_307, %mul3A_308 in 0 : vector<256x8xf32>, vector<256x8xf32>, vector<256x8xf32>, vector<256x8xf32>, vector<256x8xf32>, vector<256x8xf32>, vector<256x8xf32>, vector<256x8xf32>, vector<256x8xf32> -> vector<2304x8xf32>
    %get3A_310 = arith.constant 0 : index
    %get3A_311 = arith.constant 0 : index
    %get3A_312 = vector.load %arg29[%get3A_310, %get3A_311] : memref<8x512xf32, #tpu.memory_space<vmem>>, vector<8x512xf32>
    %dot_general3A_313 = arith.constant dense<0.000000e+00> : vector<2304x512xf32>
    %dot_general3A_314 = tpu.matmul %concatenate3A_309, %get3A_312, %dot_general3A_313 {dimension_numbers = #tpu.dot_dimension_numbers<[1], [0], [0], [1], [0, 0, 1, 1], [], []>, transpose_lhs_hint = false} : vector<2304x8xf32>, vector<8x512xf32>, vector<2304x512xf32> -> vector<2304x512xf32>
    %slice3A_315 = vector.extract_strided_slice %add3A_247 {offsets = [0, 0], sizes = [2304, 256], strides = [1, 1]} : vector<2304x512xf32> to vector<2304x256xf32>
    %get3A_316 = arith.constant 0 : index
    %get3A_317 = arith.constant 0 : index
    %get3A_318 = vector.load %arg22[%get3A_316, %get3A_317] : memref<256x256xf32, #tpu.memory_space<vmem>>, vector<256x256xf32>
    %dot_general3A_319 = arith.constant dense<0.000000e+00> : vector<2304x256xf32>
    %dot_general3A_320 = tpu.matmul %slice3A_315, %get3A_318, %dot_general3A_319 {dimension_numbers = #tpu.dot_dimension_numbers<[1], [0], [0], [1], [0, 0, 1, 1], [], []>, transpose_lhs_hint = false} : vector<2304x256xf32>, vector<256x256xf32>, vector<2304x256xf32> -> vector<2304x256xf32>
    %get3A_321 = arith.constant 0 : index
    %get3A_322 = arith.constant 0 : index
    %get3A_323 = vector.load %arg23[%get3A_321, %get3A_322] : memref<1x256xf32, #tpu.memory_space<vmem>>, vector<1x256xf32>
    %add3A_324 = vector.broadcast %get3A_323 : vector<1x256xf32> to vector<2304x256xf32>
    %add3A_325 = arith.addf %dot_general3A_320, %add3A_324 : vector<2304x256xf32>
    %mul3A_326 = arith.mulf %add3A_325, %add3A_325 : vector<2304x256xf32>
    %mul3A_327 = arith.mulf %mul3A_326, %add3A_325 : vector<2304x256xf32>
    %mul3A_328 = arith.constant 4.471500e-02 : f32
    %mul3A_329 = vector.broadcast %mul3A_328 : f32 to vector<2304x256xf32>
    %mul3A_330 = arith.mulf %mul3A_329, %mul3A_327 : vector<2304x256xf32>
    %add3A_331 = arith.addf %add3A_325, %mul3A_330 : vector<2304x256xf32>
    %mul3A_332 = arith.constant 0.797884583 : f32
    %mul3A_333 = vector.broadcast %mul3A_332 : f32 to vector<2304x256xf32>
    %mul3A_334 = arith.mulf %mul3A_333, %add3A_331 : vector<2304x256xf32>
    %tanh3A_335 = math.tanh %mul3A_334 : vector<2304x256xf32>
    %mul3A_336 = arith.mulf %add3A_325, %tanh3A_335 : vector<2304x256xf32>
    %add3A_337 = arith.addf %add3A_325, %mul3A_336 : vector<2304x256xf32>
    %get3A_338 = arith.constant 0 : index
    %get3A_339 = arith.constant 0 : index
    %get3A_340 = vector.load %arg31[%get3A_338, %get3A_339] : memref<256x256xf32, #tpu.memory_space<vmem>>, vector<256x256xf32>
    %dot_general3A_341 = arith.constant dense<0.000000e+00> : vector<2304x256xf32>
    %dot_general3A_342 = tpu.matmul %add3A_337, %get3A_340, %dot_general3A_341 {dimension_numbers = #tpu.dot_dimension_numbers<[1], [0], [0], [1], [0, 0, 1, 1], [], []>, transpose_lhs_hint = false} : vector<2304x256xf32>, vector<256x256xf32>, vector<2304x256xf32> -> vector<2304x256xf32>
    %sub3A_343 = arith.subf %add3A_337, %dot_general3A_342 : vector<2304x256xf32>
    %mul3A_344 = arith.mulf %sub3A_343, %sub3A_343 : vector<2304x256xf32>
    %get3A_345 = arith.constant 0 : index
    %get3A_346 = arith.constant 0 : index
    %get3A_347 = vector.load %arg31[%get3A_345, %get3A_346] : memref<256x256xf32, #tpu.memory_space<vmem>>, vector<256x256xf32>
    %dot_general3A_348 = arith.constant dense<0.000000e+00> : vector<2304x256xf32>
    %dot_general3A_349 = tpu.matmul %mul3A_344, %get3A_347, %dot_general3A_348 {dimension_numbers = #tpu.dot_dimension_numbers<[1], [0], [0], [1], [0, 0, 1, 1], [], []>, transpose_lhs_hint = false} : vector<2304x256xf32>, vector<256x256xf32>, vector<2304x256xf32> -> vector<2304x256xf32>
    %add3A_350 = arith.constant 9.99999997E-7 : f32
    %add3A_351 = vector.broadcast %add3A_350 : f32 to vector<2304x256xf32>
    %add3A_352 = arith.addf %dot_general3A_349, %add3A_351 : vector<2304x256xf32>
    %rsqrt3A_353 = math.rsqrt %add3A_352 : vector<2304x256xf32>
    %mul3A_354 = arith.mulf %sub3A_343, %rsqrt3A_353 : vector<2304x256xf32>
    %get3A_355 = arith.constant 0 : index
    %get3A_356 = arith.constant 0 : index
    %get3A_357 = vector.load %arg24[%get3A_355, %get3A_356] : memref<256x256xf32, #tpu.memory_space<vmem>>, vector<256x256xf32>
    %dot_general3A_358 = arith.constant dense<0.000000e+00> : vector<2304x256xf32>
    %dot_general3A_359 = tpu.matmul %mul3A_354, %get3A_357, %dot_general3A_358 {dimension_numbers = #tpu.dot_dimension_numbers<[1], [0], [0], [1], [0, 0, 1, 1], [], []>, transpose_lhs_hint = false} : vector<2304x256xf32>, vector<256x256xf32>, vector<2304x256xf32> -> vector<2304x256xf32>
    %get3A_360 = arith.constant 0 : index
    %get3A_361 = arith.constant 0 : index
    %get3A_362 = vector.load %arg25[%get3A_360, %get3A_361] : memref<1x256xf32, #tpu.memory_space<vmem>>, vector<1x256xf32>
    %add3A_363 = vector.broadcast %get3A_362 : vector<1x256xf32> to vector<2304x256xf32>
    %add3A_364 = arith.addf %dot_general3A_359, %add3A_363 : vector<2304x256xf32>
    %slice3A_365 = vector.extract_strided_slice %add3A_247 {offsets = [0, 256], sizes = [2304, 256], strides = [1, 1]} : vector<2304x512xf32> to vector<2304x256xf32>
    %get3A_366 = arith.constant 0 : index
    %get3A_367 = arith.constant 0 : index
    %get3A_368 = vector.load %arg22[%get3A_366, %get3A_367] : memref<256x256xf32, #tpu.memory_space<vmem>>, vector<256x256xf32>
    %dot_general3A_369 = arith.constant dense<0.000000e+00> : vector<2304x256xf32>
    %dot_general3A_370 = tpu.matmul %slice3A_365, %get3A_368, %dot_general3A_369 {dimension_numbers = #tpu.dot_dimension_numbers<[1], [0], [0], [1], [0, 0, 1, 1], [], []>, transpose_lhs_hint = false} : vector<2304x256xf32>, vector<256x256xf32>, vector<2304x256xf32> -> vector<2304x256xf32>
    %get3A_371 = arith.constant 0 : index
    %get3A_372 = arith.constant 0 : index
    %get3A_373 = vector.load %arg23[%get3A_371, %get3A_372] : memref<1x256xf32, #tpu.memory_space<vmem>>, vector<1x256xf32>
    %add3A_374 = vector.broadcast %get3A_373 : vector<1x256xf32> to vector<2304x256xf32>
    %add3A_375 = arith.addf %dot_general3A_370, %add3A_374 : vector<2304x256xf32>
    %mul3A_376 = arith.mulf %add3A_375, %add3A_375 : vector<2304x256xf32>
    %mul3A_377 = arith.mulf %mul3A_376, %add3A_375 : vector<2304x256xf32>
    %mul3A_378 = arith.constant 4.471500e-02 : f32
    %mul3A_379 = vector.broadcast %mul3A_378 : f32 to vector<2304x256xf32>
    %mul3A_380 = arith.mulf %mul3A_379, %mul3A_377 : vector<2304x256xf32>
    %add3A_381 = arith.addf %add3A_375, %mul3A_380 : vector<2304x256xf32>
    %mul3A_382 = arith.constant 0.797884583 : f32
    %mul3A_383 = vector.broadcast %mul3A_382 : f32 to vector<2304x256xf32>
    %mul3A_384 = arith.mulf %mul3A_383, %add3A_381 : vector<2304x256xf32>
    %tanh3A_385 = math.tanh %mul3A_384 : vector<2304x256xf32>
    %mul3A_386 = arith.mulf %add3A_375, %tanh3A_385 : vector<2304x256xf32>
    %add3A_387 = arith.addf %add3A_375, %mul3A_386 : vector<2304x256xf32>
    %get3A_388 = arith.constant 0 : index
    %get3A_389 = arith.constant 0 : index
    %get3A_390 = vector.load %arg31[%get3A_388, %get3A_389] : memref<256x256xf32, #tpu.memory_space<vmem>>, vector<256x256xf32>
    %dot_general3A_391 = arith.constant dense<0.000000e+00> : vector<2304x256xf32>
    %dot_general3A_392 = tpu.matmul %add3A_387, %get3A_390, %dot_general3A_391 {dimension_numbers = #tpu.dot_dimension_numbers<[1], [0], [0], [1], [0, 0, 1, 1], [], []>, transpose_lhs_hint = false} : vector<2304x256xf32>, vector<256x256xf32>, vector<2304x256xf32> -> vector<2304x256xf32>
    %sub3A_393 = arith.subf %add3A_387, %dot_general3A_392 : vector<2304x256xf32>
    %mul3A_394 = arith.mulf %sub3A_393, %sub3A_393 : vector<2304x256xf32>
    %get3A_395 = arith.constant 0 : index
    %get3A_396 = arith.constant 0 : index
    %get3A_397 = vector.load %arg31[%get3A_395, %get3A_396] : memref<256x256xf32, #tpu.memory_space<vmem>>, vector<256x256xf32>
    %dot_general3A_398 = arith.constant dense<0.000000e+00> : vector<2304x256xf32>
    %dot_general3A_399 = tpu.matmul %mul3A_394, %get3A_397, %dot_general3A_398 {dimension_numbers = #tpu.dot_dimension_numbers<[1], [0], [0], [1], [0, 0, 1, 1], [], []>, transpose_lhs_hint = false} : vector<2304x256xf32>, vector<256x256xf32>, vector<2304x256xf32> -> vector<2304x256xf32>
    %add3A_400 = arith.constant 9.99999997E-7 : f32
    %add3A_401 = vector.broadcast %add3A_400 : f32 to vector<2304x256xf32>
    %add3A_402 = arith.addf %dot_general3A_399, %add3A_401 : vector<2304x256xf32>
    %rsqrt3A_403 = math.rsqrt %add3A_402 : vector<2304x256xf32>
    %mul3A_404 = arith.mulf %sub3A_393, %rsqrt3A_403 : vector<2304x256xf32>
    %get3A_405 = arith.constant 0 : index
    %get3A_406 = arith.constant 0 : index
    %get3A_407 = vector.load %arg24[%get3A_405, %get3A_406] : memref<256x256xf32, #tpu.memory_space<vmem>>, vector<256x256xf32>
    %dot_general3A_408 = arith.constant dense<0.000000e+00> : vector<2304x256xf32>
    %dot_general3A_409 = tpu.matmul %mul3A_404, %get3A_407, %dot_general3A_408 {dimension_numbers = #tpu.dot_dimension_numbers<[1], [0], [0], [1], [0, 0, 1, 1], [], []>, transpose_lhs_hint = false} : vector<2304x256xf32>, vector<256x256xf32>, vector<2304x256xf32> -> vector<2304x256xf32>
    %get3A_410 = arith.constant 0 : index
    %get3A_411 = arith.constant 0 : index
    %get3A_412 = vector.load %arg25[%get3A_410, %get3A_411] : memref<1x256xf32, #tpu.memory_space<vmem>>, vector<1x256xf32>
    %add3A_413 = vector.broadcast %get3A_412 : vector<1x256xf32> to vector<2304x256xf32>
    %add3A_414 = arith.addf %dot_general3A_409, %add3A_413 : vector<2304x256xf32>
    %concatenate3A_415 = tpu.concatenate %add3A_364, %add3A_414 in 1 : vector<2304x256xf32>, vector<2304x256xf32> -> vector<2304x512xf32>
    %mul3A_416 = arith.mulf %dot_general3A_314, %concatenate3A_415 : vector<2304x512xf32>
    %slice3A_417 = vector.extract_strided_slice %mul3A_416 {offsets = [0, 0], sizes = [256, 512], strides = [1, 1]} : vector<2304x512xf32> to vector<256x512xf32>
    %slice3A_418 = vector.extract_strided_slice %mul3A_416 {offsets = [256, 0], sizes = [256, 512], strides = [1, 1]} : vector<2304x512xf32> to vector<256x512xf32>
    %add3A_419 = arith.addf %slice3A_417, %slice3A_418 : vector<256x512xf32>
    %slice3A_420 = vector.extract_strided_slice %mul3A_416 {offsets = [512, 0], sizes = [256, 512], strides = [1, 1]} : vector<2304x512xf32> to vector<256x512xf32>
    %add3A_421 = arith.addf %add3A_419, %slice3A_420 : vector<256x512xf32>
    %slice3A_422 = vector.extract_strided_slice %mul3A_416 {offsets = [768, 0], sizes = [256, 512], strides = [1, 1]} : vector<2304x512xf32> to vector<256x512xf32>
    %add3A_423 = arith.addf %add3A_421, %slice3A_422 : vector<256x512xf32>
    %slice3A_424 = vector.extract_strided_slice %mul3A_416 {offsets = [1024, 0], sizes = [256, 512], strides = [1, 1]} : vector<2304x512xf32> to vector<256x512xf32>
    %add3A_425 = arith.addf %add3A_423, %slice3A_424 : vector<256x512xf32>
    %slice3A_426 = vector.extract_strided_slice %mul3A_416 {offsets = [1280, 0], sizes = [256, 512], strides = [1, 1]} : vector<2304x512xf32> to vector<256x512xf32>
    %add3A_427 = arith.addf %add3A_425, %slice3A_426 : vector<256x512xf32>
    %slice3A_428 = vector.extract_strided_slice %mul3A_416 {offsets = [1536, 0], sizes = [256, 512], strides = [1, 1]} : vector<2304x512xf32> to vector<256x512xf32>
    %add3A_429 = arith.addf %add3A_427, %slice3A_428 : vector<256x512xf32>
    %slice3A_430 = vector.extract_strided_slice %mul3A_416 {offsets = [1792, 0], sizes = [256, 512], strides = [1, 1]} : vector<2304x512xf32> to vector<256x512xf32>
    %add3A_431 = arith.addf %add3A_429, %slice3A_430 : vector<256x512xf32>
    %slice3A_432 = vector.extract_strided_slice %mul3A_416 {offsets = [2048, 0], sizes = [256, 512], strides = [1, 1]} : vector<2304x512xf32> to vector<256x512xf32>
    %add3A_433 = arith.addf %add3A_431, %slice3A_432 : vector<256x512xf32>
    %get3A_434 = arith.constant 0 : index
    %get3A_435 = arith.constant 0 : index
    %get3A_436 = vector.load %arg26[%get3A_434, %get3A_435] : memref<512x64xf32, #tpu.memory_space<vmem>>, vector<512x64xf32>
    %dot_general3A_437 = arith.constant dense<0.000000e+00> : vector<256x64xf32>
    %dot_general3A_438 = tpu.matmul %add3A_433, %get3A_436, %dot_general3A_437 {dimension_numbers = #tpu.dot_dimension_numbers<[1], [0], [0], [1], [0, 0, 1, 1], [], []>, transpose_lhs_hint = false} : vector<256x512xf32>, vector<512x64xf32>, vector<256x64xf32> -> vector<256x64xf32>
    %get3A_439 = arith.constant 0 : index
    %get3A_440 = arith.constant 0 : index
    %get3A_441 = vector.load %arg27[%get3A_439, %get3A_440] : memref<1x64xf32, #tpu.memory_space<vmem>>, vector<1x64xf32>
    %add3A_442 = vector.broadcast %get3A_441 : vector<1x64xf32> to vector<256x64xf32>
    %add3A_443 = arith.addf %dot_general3A_438, %add3A_442 : vector<256x64xf32>
    %swap3A = arith.constant 0 : index
    %swap3A_444 = arith.constant 0 : index
    %swap3A_445 = vector.load %arg32[%swap3A, %swap3A_444] : memref<256x64xf32, #tpu.memory_space<vmem>>, vector<256x64xf32>
    tpu.vector_store %arg32[%swap3A, %swap3A_444], %add3A_443 {strides = array<i32>} : memref<256x64xf32, #tpu.memory_space<vmem>>, vector<256x64xf32>,
    return
  }
  func.func @transform_0(%arg0: i32) -> (i32, i32, i32) {
    %c0_i32 = arith.constant 0 : i32
    %c0_i32_0 = arith.constant 0 : i32
    %c0_i32_1 = arith.constant 0 : i32
    return %c0_i32, %arg0, %c0_i32_0 : i32, i32, i32
  }
  func.func @transform_1(%arg0: i32) -> (i32, i32) {
    %c0_i32 = arith.constant 0 : i32
    %c0_i32_0 = arith.constant 0 : i32
    return %arg0, %c0_i32 : i32, i32
  }
  func.func @transform_2(%arg0: i32) -> (i32, i32) {
    %c0_i32 = arith.constant 0 : i32
    %c0_i32_0 = arith.constant 0 : i32
    return %arg0, %c0_i32 : i32, i32
  }
  func.func @transform_3(%arg0: i32) -> (i32, i32) {
    %c0_i32 = arith.constant 0 : i32
    %c0_i32_0 = arith.constant 0 : i32
    %c0_i32_1 = arith.constant 0 : i32
    return %c0_i32, %c0_i32_0 : i32, i32
  }
  func.func @transform_4(%arg0: i32) -> (i32, i32) {
    %c0_i32 = arith.constant 0 : i32
    %c0_i32_0 = arith.constant 0 : i32
    %c0_i32_1 = arith.constant 0 : i32
    return %c0_i32, %c0_i32_0 : i32, i32
  }
  func.func @transform_5(%arg0: i32) -> (i32, i32) {
    %c0_i32 = arith.constant 0 : i32
    %c0_i32_0 = arith.constant 0 : i32
    %c0_i32_1 = arith.constant 0 : i32
    return %c0_i32, %c0_i32_0 : i32, i32
  }
  func.func @transform_6(%arg0: i32) -> (i32, i32) {
    %c0_i32 = arith.constant 0 : i32
    %c0_i32_0 = arith.constant 0 : i32
    %c0_i32_1 = arith.constant 0 : i32
    return %c0_i32, %c0_i32_0 : i32, i32
  }
  func.func @transform_7(%arg0: i32) -> (i32, i32) {
    %c0_i32 = arith.constant 0 : i32
    %c0_i32_0 = arith.constant 0 : i32
    %c0_i32_1 = arith.constant 0 : i32
    return %c0_i32, %c0_i32_0 : i32, i32
  }
  func.func @transform_8(%arg0: i32) -> (i32, i32) {
    %c0_i32 = arith.constant 0 : i32
    %c0_i32_0 = arith.constant 0 : i32
    %c0_i32_1 = arith.constant 0 : i32
    return %c0_i32, %c0_i32_0 : i32, i32
  }
  func.func @transform_9(%arg0: i32) -> (i32, i32) {
    %c0_i32 = arith.constant 0 : i32
    %c0_i32_0 = arith.constant 0 : i32
    %c0_i32_1 = arith.constant 0 : i32
    return %c0_i32, %c0_i32_0 : i32, i32
  }
  func.func @transform_10(%arg0: i32) -> (i32, i32) {
    %c0_i32 = arith.constant 0 : i32
    %c0_i32_0 = arith.constant 0 : i32
    %c0_i32_1 = arith.constant 0 : i32
    return %c0_i32, %c0_i32_0 : i32, i32
  }
  func.func @transform_11(%arg0: i32) -> (i32, i32) {
    %c0_i32 = arith.constant 0 : i32
    %c0_i32_0 = arith.constant 0 : i32
    %c0_i32_1 = arith.constant 0 : i32
    return %c0_i32, %c0_i32_0 : i32, i32
  }
  func.func @transform_12(%arg0: i32) -> (i32, i32) {
    %c0_i32 = arith.constant 0 : i32
    %c0_i32_0 = arith.constant 0 : i32
    %c0_i32_1 = arith.constant 0 : i32
    return %c0_i32, %c0_i32_0 : i32, i32
  }
  func.func @transform_13(%arg0: i32) -> (i32, i32) {
    %c0_i32 = arith.constant 0 : i32
    %c0_i32_0 = arith.constant 0 : i32
    %c0_i32_1 = arith.constant 0 : i32
    return %c0_i32, %c0_i32_0 : i32, i32
  }
  func.func @transform_14(%arg0: i32) -> (i32, i32) {
    %c0_i32 = arith.constant 0 : i32
    %c0_i32_0 = arith.constant 0 : i32
    %c0_i32_1 = arith.constant 0 : i32
    return %c0_i32, %c0_i32_0 : i32, i32
  }
  func.func @transform_15(%arg0: i32) -> (i32, i32) {
    %c0_i32 = arith.constant 0 : i32
    %c0_i32_0 = arith.constant 0 : i32
    %c0_i32_1 = arith.constant 0 : i32
    return %c0_i32, %c0_i32_0 : i32, i32
  }
  func.func @transform_16(%arg0: i32) -> (i32, i32) {
    %c0_i32 = arith.constant 0 : i32
    %c0_i32_0 = arith.constant 0 : i32
    %c0_i32_1 = arith.constant 0 : i32
    return %c0_i32, %c0_i32_0 : i32, i32
  }
  func.func @transform_17(%arg0: i32) -> (i32, i32) {
    %c0_i32 = arith.constant 0 : i32
    %c0_i32_0 = arith.constant 0 : i32
    %c0_i32_1 = arith.constant 0 : i32
    return %c0_i32, %c0_i32_0 : i32, i32
  }
  func.func @transform_18(%arg0: i32) -> (i32, i32) {
    %c0_i32 = arith.constant 0 : i32
    %c0_i32_0 = arith.constant 0 : i32
    %c0_i32_1 = arith.constant 0 : i32
    return %c0_i32, %c0_i32_0 : i32, i32
  }
  func.func @transform_19(%arg0: i32) -> (i32, i32) {
    %c0_i32 = arith.constant 0 : i32
    %c0_i32_0 = arith.constant 0 : i32
    %c0_i32_1 = arith.constant 0 : i32
    return %c0_i32, %c0_i32_0 : i32, i32
  }
  func.func @transform_20(%arg0: i32) -> (i32, i32) {
    %c0_i32 = arith.constant 0 : i32
    %c0_i32_0 = arith.constant 0 : i32
    %c0_i32_1 = arith.constant 0 : i32
    return %c0_i32, %c0_i32_0 : i32, i32
  }
  func.func @transform_21(%arg0: i32) -> (i32, i32) {
    %c0_i32 = arith.constant 0 : i32
    %c0_i32_0 = arith.constant 0 : i32
    %c0_i32_1 = arith.constant 0 : i32
    return %c0_i32, %c0_i32_0 : i32, i32
  }
  func.func @transform_22(%arg0: i32) -> (i32, i32) {
    %c0_i32 = arith.constant 0 : i32
    %c0_i32_0 = arith.constant 0 : i32
    %c0_i32_1 = arith.constant 0 : i32
    return %c0_i32, %c0_i32_0 : i32, i32
  }
  func.func @transform_23(%arg0: i32) -> (i32, i32) {
    %c0_i32 = arith.constant 0 : i32
    %c0_i32_0 = arith.constant 0 : i32
    %c0_i32_1 = arith.constant 0 : i32
    return %c0_i32, %c0_i32_0 : i32, i32
  }
  func.func @transform_24(%arg0: i32) -> (i32, i32) {
    %c0_i32 = arith.constant 0 : i32
    %c0_i32_0 = arith.constant 0 : i32
    %c0_i32_1 = arith.constant 0 : i32
    return %c0_i32, %c0_i32_0 : i32, i32
  }
  func.func @transform_25(%arg0: i32) -> (i32, i32) {
    %c0_i32 = arith.constant 0 : i32
    %c0_i32_0 = arith.constant 0 : i32
    %c0_i32_1 = arith.constant 0 : i32
    return %c0_i32, %c0_i32_0 : i32, i32
  }
  func.func @transform_26(%arg0: i32) -> (i32, i32) {
    %c0_i32 = arith.constant 0 : i32
    %c0_i32_0 = arith.constant 0 : i32
    %c0_i32_1 = arith.constant 0 : i32
    return %c0_i32, %c0_i32_0 : i32, i32
  }
  func.func @transform_27(%arg0: i32) -> (i32, i32) {
    %c0_i32 = arith.constant 0 : i32
    %c0_i32_0 = arith.constant 0 : i32
    %c0_i32_1 = arith.constant 0 : i32
    return %c0_i32, %c0_i32_0 : i32, i32
  }
  func.func @transform_28(%arg0: i32) -> (i32, i32) {
    %c0_i32 = arith.constant 0 : i32
    %c0_i32_0 = arith.constant 0 : i32
    %c0_i32_1 = arith.constant 0 : i32
    return %c0_i32, %c0_i32_0 : i32, i32
  }
  func.func @transform_29(%arg0: i32) -> (i32, i32) {
    %c0_i32 = arith.constant 0 : i32
    %c0_i32_0 = arith.constant 0 : i32
    %c0_i32_1 = arith.constant 0 : i32
    return %c0_i32, %c0_i32_0 : i32, i32
  }
  func.func @transform_30(%arg0: i32) -> (i32, i32) {
    %c0_i32 = arith.constant 0 : i32
    %c0_i32_0 = arith.constant 0 : i32
    %c0_i32_1 = arith.constant 0 : i32
    return %c0_i32, %c0_i32_0 : i32, i32
  }
  func.func @transform_31(%arg0: i32) -> (i32, i32) {
    %c0_i32 = arith.constant 0 : i32
    %c0_i32_0 = arith.constant 0 : i32
    return %arg0, %c0_i32 : i32, i32
  }
}

</mosaic_0001>

<sc_bundles>
// kernel: kernel.11.cloned.1.call-start
scs
__scs_entry_jumppad:
0x0: {  	(pc) =	sbr.rel $0x88, $3  }
0x1: {  	(tag) =	ssettag $0x0;
	lr =	simm.s32 $0x1  }
0x2: {  	[smem:$0x3F79] =	sst lr;
	_ =	strace $0xD0000000  }
0x3: {  	_ = 	snop  }
0x4: {  	_ = 	snop  }
0x5: {  	_ = 	snop  }
0x6: {  	_ = 	snop  }
0x7: {  	_ = 	snop  }
__scs_overlays_trampoline_lowered:
0x8: {  	[smem:$0x3F88] =	sst s0  }
0x9: {  	[smem:$0x3F89] =	sst s1  }
0xa: {  	[smem:$0x3F8A] =	sst s2  }
0xb: {  	[smem:$0x3F8B] =	sst s3  }
0xc: {  	[smem:$0x3F8C] =	sst s4  }
0xd: {  	[smem:$0x3F8D] =	sst s5  }
0xe: {  	[smem:$0x3F8E] =	sst s6  }
0xf: {  	[smem:$0x3F8F] =	sst s7  }
0x10: {  	[smem:$0x3F90] =	sst s8  }
0x11: {  	[smem:$0x3F91] =	sst s9;
	s0 =	simm.s32 @!p0 $0x0  }
0x12: {  	s1 =	sld [smem:$0x3F77];
	s0 =	simm.s32 @p0 $0x1  }
0x13: {  	[smem:$0x3F92] =	sst s0;
	s0 =	simm.s32 @!p1 $0x0  }
0x14: {  	s2 =	sld [smem:$0x3F76];
	s0 =	simm.s32 @p1 $0x1  }
0x15: {  	[smem:$0x3F93] =	sst s0;
	s0 =	simm.s32 @!p2 $0x0  }
0x16: {  	s3 =	sld [smem:$0x3FDB];
	s0 =	simm.s32 @p2 $0x1  }
0x17: {  	s4 =	simm.s32 $0x1BF5;
	[smem:$0x3F95] =	sst s0  }
0x18: {  	s0 =	sld [smem:$0x3F78];
	_ =	swait.ge [sflag:s4], $0x0  }
0x19: {  	s7 =	sld [smem:$0x3F79]  }
0x1a: {  	s8 =	sadd.s32 $0xFFFFE003, lr  }
0x1b: {  	s9 =	sadd.s32 $0xFFFFFEF7, lr;
	s5 =	simm.s32 $0xFFFFFFFF;
	p2 =	slt.u32 s8, $0xFFFFF086  }
0x1c: {  	p1 =	slt.u32 s9, $0xF7A;
	s5 =	simm.s32 @!p2 $0x0  }
0x1d: {  	s5 =	simm.s32 @p1 $0x1;
	p0 =	seq.s32 s7, s2  }
0x1e: {  	s7 =	smul.u32 @!p0 $0xF7A, s2;
	p2 =	seq.s32 @!p0 s5, $0x0  }
0x1f: {  	s9 =	smul.u32 $0xF7A, s1;
	s8 =	simm.s32 @!p0 $0x1BF5;
	p2 =	por !p2, p0  }
0x20: {  	[sflag:s8] =	ssyncset.s32 @!p0 $0xFFFFF086;
	s6 =	sadd.s32 @!p0 s3, s7;
	s7 =	simm.s32 @!p0 $0x108  }
0x21: {  	s3 =	sadd.s32 s3, s9;
	s6 =	sadd.s32 @!p0 $0x88, s6;
	s7 =	simm.s32 @p2 $0x1082  }
0x22: {  	[simem:s7], [sflag:s8] =	dma.local @!p0 [hbm:s6], $0xF7A  }
0x23: {  	s9 =	sor.u32 $0xD0000000, s2;
	s6 =	simm.s32 $0x108;
	_ =	swait.ge @!p0 [sflag:s8], $0x0  }
0x24: {  	s3 =	sadd.s32 $0x88, s3;
	s6 =	simm.s32 @!p1 $0x1082;
	[sflag:s4] =	ssyncset.s32 $0xFFFFF086  }
0x25: {  	[simem:s6], [sflag:s4] =	dma.local [hbm:s3], $0xF7A  }
0x26: {  	[smem:$0x3F79] =	sst s1;
	(tag) =	ssettag s2;
	_ =	strace s9  }
0x27: {  	s1 =	sld [smem:$0x3F89]  }
0x28: {  	s2 =	sld [smem:$0x3F8A]  }
0x29: {  	s4 =	sld [smem:$0x3F8C]  }
0x2a: {  	p0 =	seq.s32 s5, $0x0;
	s5 =	sld [smem:$0x3F8D]  }
0x2b: {  	s6 =	sld [smem:$0x3F8E]  }
0x2c: {  	s7 =	sld [smem:$0x3F8F]  }
0x2d: {  	s3 =	simm.s32 $0x108;
	s8 =	sld [smem:$0x3F90]  }
0x2e: {  	s3 =	simm.s32 @!p0 $0x1082;
	s9 =	sld [smem:$0x3F91]  }
0x2f: {  	lr =	sadd.s32 s0, s3;
	s0 =	sld [smem:$0x3F88]  }
0x30: {  	s3 =	sld [smem:$0x3F8B]  }
0x31: {  	[smem:$0x3F94] =	sst s10  }
0x32: {  	s10 =	sld [smem:$0x3F92];
	_ =	sdelay $0x3  }
0x33: {  	p0 =	seq.s32 s10, $0x1;
	s10 =	sld [smem:$0x3F94];
	_ =	sdelay $0x3  }
0x34: {  	[smem:$0x3F94] =	sst s10  }
0x35: {  	s10 =	sld [smem:$0x3F93];
	_ =	sdelay $0x3  }
0x36: {  	p1 =	seq.s32 s10, $0x1;
	s10 =	sld [smem:$0x3F94];
	_ =	sdelay $0x3  }
0x37: {  	[smem:$0x3F94] =	sst s10  }
0x38: {  	s10 =	sld [smem:$0x3F95]  }
0x39: {  	_ = 	snop;
	(pc) =	sbr.ind lr, $3  }
0x3a: {  	_ = 	snop  }
0x3b: {  	_ = 	snop  }
0x3c: {  	p2 =	seq.s32 s10, $0x1;
	s10 =	sld [smem:$0x3F94]  }
0x3d: {  	_ =	shalt  }
0x3e: {  	_ =	shalt  }
0x3f: {  	_ =	shalt  }
0x40: {  	_ =	shalt  }
0x41: {  	_ =	shalt  }
0x42: {  	_ =	shalt  }
0x43: {  	_ =	shalt  }
0x44: {  	_ =	shalt  }
0x45: {  	_ =	shalt  }
0x46: {  	_ =	shalt  }
0x47: {  	_ =	shalt  }
0x48: {  	_ =	shalt  }
0x49: {  	_ =	shalt  }
0x4a: {  	_ =	shalt  }
0x4b: {  	_ =	shalt  }
0x4c: {  	_ =	shalt  }
0x4d: {  	_ =	shalt  }
0x4e: {  	_ =	shalt  }
0x4f: {  	_ =	shalt  }
0x50: {  	_ =	shalt  }
0x51: {  	_ =	shalt  }
0x52: {  	_ =	shalt  }
0x53: {  	_ =	shalt  }
0x54: {  	_ =	shalt  }
0x55: {  	_ =	shalt  }
0x56: {  	_ =	shalt  }
0x57: {  	_ =	shalt  }
0x58: {  	_ =	shalt  }
0x59: {  	_ =	shalt  }
0x5a: {  	_ =	shalt  }
0x5b: {  	_ =	shalt  }
0x5c: {  	_ =	shalt  }
0x5d: {  	_ =	shalt  }
0x5e: {  	_ =	shalt  }
0x5f: {  	_ =	shalt  }
0x60: {  	_ =	shalt  }
0x61: {  	_ =	shalt  }
0x62: {  	_ =	shalt  }
0x63: {  	_ =	shalt  }
0x64: {  	_ =	shalt  }
0x65: {  	_ =	shalt  }
0x66: {  	_ =	shalt  }
0x67: {  	_ =	shalt  }
0x68: {  	_ =	shalt  }
0x69: {  	_ =	shalt  }
0x6a: {  	_ =	shalt  }
0x6b: {  	_ =	shalt  }
0x6c: {  	_ =	shalt  }
0x6d: {  	_ =	shalt  }
0x6e: {  	_ =	shalt  }
0x6f: {  	_ =	shalt  }
0x70: {  	_ =	shalt  }
0x71: {  	_ =	shalt  }
0x72: {  	_ =	shalt  }
0x73: {  	_ =	shalt  }
0x74: {  	_ =	shalt  }
0x75: {  	_ =	shalt  }
0x76: {  	_ =	shalt  }
0x77: {  	_ =	shalt  }
0x78: {  	_ =	shalt  }
0x79: {  	_ =	shalt  }
0x7a: {  	_ =	shalt  }
0x7b: {  	_ =	shalt  }
0x7c: {  	_ =	shalt  }
0x7d: {  	_ =	shalt  }
0x7e: {  	_ =	shalt  }
0x7f: {  	_ =	shalt  }
0x80: {  	_ =	shalt  }
0x81: {  	_ =	shalt  }
0x82: {  	_ =	shalt  }
0x83: {  	_ =	shalt  }
0x84: {  	_ =	shalt  }
0x85: {  	_ =	shalt  }
0x86: {  	_ =	shalt  }
0x87: {  	_ =	shalt  }
.Lfunc_end0:
.L_simem_size_0:
called_computation.1_lowered:
.L_overlay_start_0:
0x88: {  	s2 =	sld [smem:$0x3FD9]  }
0x89: {  	s3 =	sld [smem:$0x3FFE];
	_ =	sdelay $0x1  }
0x8a: {  	s1 =	srdreg.scid  }
0x8b: {  	s0 =	sand.u32 $0x1, s1  }
0x8c: {  	s17 =	sshll.u32 s0, $0xA;
	s2 =	sadd.s32 s3, s2  }
0x8d: {  	s2 =	sadd.s32 s2, s17  }
0x8e: {  	[smem:$0x3FA0] =	sst s2  }
0x8f: {  	_ = 	snop  }
0x90: {  	(tm) =	ssettm $0x1  }
0x91: {  	s18 =	sld [smem:$0x3FFB];
	_ =	sdelay $0x3  }
0x92: {  	_ =	strace s18  }
0x93: {  	s2 =	sld [smem:$0x3FFC];
	_ =	sdelay $0x3  }
0x94: {  	_ =	strace s2  }
0x95: {  	s2 =	sld [smem:$0x3FFD];
	_ =	sdelay $0x3  }
0x96: {  	_ =	strace s2  }
0x97: {  	_ =	strace $0x8FFFFFFF  }
0x98: {  	s19 =	sld [smem:$0x3FDB];
	_ =	sdelay $0x1  }
0x99: {  	s20 =	simm.s32 $_scs_section_size  }
0x9a: {  	s4 =	simm.s32 $_size__tile_overlayer_lowered;
	s5 =	simm.s32 $_tile_overlayer_lowered  }
0x9b: {  	s6 =	simm.s32 $0x1BFF;
	s21 =	sshll.u32 s5, $0x1;
	s3 =	sadd.s32 s20, s19  }
0x9c: {  	s22 =	simm.s32 $0x0;
	s4 =	sshll.u32 s4, $0x1;
	s5 =	sadd.s32 s21, s3  }
0x9d: {  	[timem:s22], [sflag:s6] =	dma.local [hbm:s5], s4  }
0x9e: {  	_ =	swait.ge [sflag:s6], s4  }
0x9f: {  	s4 =	ssub.s32 $0x0, s4;
	[sflag:s6] =	ssyncset.done $0x0  }
0xa0: {  	[sflag:s6] =	ssyncadd.s32 s4;
	_ =	sdelay $0x1  }
0xa1: {  	s23 =	simm.s32 $0x1B8B  }
0xa2: {  	_ =	swait.ge [sflag:s23], $0x1  }
0xa3: {  	[sflag:s23] =	ssyncset.done $0x0  }
0xa4: {  	[sflag:s23] =	ssyncadd.s32 $0xFFFFFFFF  }
0xa5: {  	s4 =	sld [smem:$0x0]  }
0xa6: {  	s5 =	sand.u32 $0xFFFFFFFE, s1  }
0xa7: {  	p0 =	sne.s32 s1, s5  }
0xa8: {  	s5 =	sshll.u32 @p0 s5, $0xE  }
0xa9: {  	s5 =	sadd.s32 @p0 $0x11B8D, s5;
	s6 =	sshll.u32 @p0 s4, $0x11  }
0xaa: {  	s5 =	sor.u32 @p0 s6, s5  }
0xab: {  	[sflag:s5] =	ssyncadd.remote.s32 @p0 $0x1;
	_ =	sdelay $0x1  }
0xac: {  	s5 =	simm.s32 @p0 $0x1B8D  }
0xad: {  	_ =	swait.eq @p0 [sflag:s5], $0x1  }
0xae: {  	[sflag:s5] =	ssyncadd.s32 @p0 $0xFFFFFFFF  }
0xaf: {  	s6 =	sshll.u32 @!p0 s1, $0xE  }
0xb0: {  	s6 =	sor.u32 @!p0 $0x4000, s6;
	s5 =	simm.s32 @!p0 $0x1B8D  }
0xb1: {  	s4 =	sshll.u32 @!p0 s4, $0x11;
	s6 =	sadd.s32 @!p0 $0x11B8D, s6;
	_ =	swait.eq @!p0 [sflag:s5], $0x1  }
0xb2: {  	s4 =	sor.u32 @!p0 s4, s6;
	[sflag:s5] =	ssyncadd.s32 @!p0 $0xFFFFFFFF  }
0xb3: {  	s25 =	simm.s32 $0x1B8E;
	s24 =	sld [smem:$0x3FFE];
	[sflag:s4] =	ssyncadd.remote.s32 @!p0 $0x1  }
0xb4: {  	s26 =	simm.s32 $execute0_lowered;
	[smem:$0x3FD2] =	sst s25  }
0xb5: {  	s5 =	sshll.u32 s26, $0x1;
	_ =	strace $0x80000049;
	[dreg:$0x1] =	wrdreg $0xFFFFFFFF  }
0xb6: {  	s28 =	simm.s32 $_size_execute0_lowered;
	s3 =	sadd.s32 s3, s5;
	[dreg:$0x0] =	wrdreg $0x0  }
0xb7: {  	s5 =	sshll.u32 s28, $0x1;
	[dreg:$0x2] =	wrdreg s3  }
0xb8: {  	[dreg:$0x3] =	wrdreg s5  }
0xb9: {  	[dreg:$0x4] =	wrdreg $0xC0  }
0xba: {  	_ =	task [dreg:s22], $0x5FFFF  }
0xbb: {  	[dreg:$0x1] =	wrdreg $0xFFFFFFFF  }
0xbc: {  	[dreg:$0x0] =	wrdreg $0x60  }
0xbd: {  	[dreg:$0x2] =	wrdreg s24  }
0xbe: {  	[dreg:$0x3] =	wrdreg $0xA  }
0xbf: {  	_ =	task.clear_ibuf [dreg:s22], $0x4FFFF;
	_ =	strace $0x90000049  }
0xc0: {  	s29 =	simm.s32 $0xA;
	_ =	strace $0x8000004B  }
0xc1: {  	_ =	swait.ge [sflag:s29], $0x1  }
0xc2: {  	[sflag:s29] =	ssyncadd.s32 $0xFFFFFFFF  }
0xc3: {  	_ =	strace $0x9000004B  }
0xc4: {  	_ =	sfence  }
0xc5: {  	s30 =	sld [smem:$0x0];
	_ =	sdelay $0x2  }
0xc6: {  	s31 =	sshll.u32 s1, $0xD;
	s1 =	sshrl.u32 s1, $0x2  }
0xc7: {  	s4 =	sand.u32 $0x4000, s31;
	s1 =	sadd.s32 s1, s30  }
0xc8: {  	s0 =	sor.u32 s4, s0;
	s1 =	sshll.u32 s1, $0x11  }
0xc9: {  	s0 =	sor.u32 s1, s0  }
0xca: {  	s0 =	sadd.s32 $0x8F2B, s0  }
0xcb: {  	[sflag:s0] =	ssyncadd.remote.s32 $0x1  }
0xcc: {  	_ =	sfence.sel $0xFFFF  }
0xcd: {  	[dreg:$0x0] =	wrdreg $0xFFFFFFFF;
	(pc) =	sbr.abs _section_cstart, $3  }
0xce: {  	[dreg:$0x1] =	wrdreg $0xFFFFFFFF  }
0xcf: {  	_ =	task.clear_ibuf [dreg:s22], $0x2FFFF;
	_ =	strace $0x9FFFFFFF  }
0xd0: {  	(tm) =	ssettm $0x7FFFFFFF  }
0xd1: {  	_ =	shalt  }
tec
execute0_lowered:
.L_overlay_start_1:
0x0: {  	(tag) =	ssettag $0x1  }
0x1: {  	s1 =	srdreg.scid;
	s0 =	stileid.u32  }
0x2: {  	s18 =	sand.u32 $0x1, s1;
	s29 =	sshll.u32 s0, $0x1  }
0x3: {  	s19 =	sor.u32 s18, s29  }
0x4: {  	s20 =	rddreg [dreg:$0x0];
	s3 =	smul.u32 $0x48, s19  }
0x5: {  	s2 =	simm.s32 $0x0;
	s1 =	rddreg [dreg:$0x1]  }
0x6: {  	[smem:$0x7FF] =	sst s2;
	s3 =	sadd.s32 s3, s20  }
0x7: {  	_ =	strace $0x8000004A;
	s4 =	sadd.s32 $0x53A00, s3;
	s3 =	simm.s32 $0x2  }
0x8: {  	[tilespmem:s2], [sflag:$0x2] =	stream.linear.gather [hbm4b:s4+s2], $0x240, $0x38;
	[tilespmem:$0x12280] =	vst v63  }
0x9: {  	_ =	swait.ge [sflag:s3], $0x240  }
0xa: {  	s6 =	simm.s32 $0x60;
	[sflag:s3] =	ssyncset.done $0x0  }
0xb: {  	s7 =	simm.s32 $0x280;
	s5 =	sadd.s32 $0x7A00, s20;
	[sflag:s3] =	ssyncadd.s32 $0xFFFFFDC0  }
0xc: {  	[tilespmem:s7], [sflag:$0x1] =	stream.indirect.gather [hbm4b:s5+s6], $0x80, s2, s6, $0xb8;
	[tilespmem:$0x12280] =	vst v63  }
0xd: {  	s8 =	simm.s32 $0x3280  }
0xe: {  	[tilespmem:s8], [sflag:$0x1] =	stream.indirect.gather [hbm4b:s5+s6], $0x80, s6, s6, $0xb8;
	[tilespmem:$0x12280] =	vst v63  }
0xf: {  	s9 =	simm.s32 $0xC0;
	s10 =	simm.s32 $0x6280  }
0x10: {  	[tilespmem:s10], [sflag:$0x1] =	stream.indirect.gather [hbm4b:s5+s6], $0x80, s9, s6, $0xb8;
	[tilespmem:$0x12280] =	vst v63  }
0x11: {  	s11 =	simm.s32 $0x120;
	s12 =	simm.s32 $0x9280  }
0x12: {  	[tilespmem:s12], [sflag:$0x1] =	stream.indirect.gather [hbm4b:s5+s6], $0x80, s11, s6, $0xb8;
	[tilespmem:$0x12280] =	vst v63  }
0x13: {  	s13 =	simm.s32 $0x180;
	s14 =	simm.s32 $0xC280  }
0x14: {  	[tilespmem:s14], [sflag:$0x1] =	stream.indirect.gather [hbm4b:s5+s6], $0x80, s13, s6, $0xb8;
	[tilespmem:$0x12280] =	vst v63  }
0x15: {  	s15 =	simm.s32 $0x1E0;
	s16 =	simm.s32 $0xF280;
	s17 =	simm.s32 $0x1  }
0x16: {  	[tilespmem:s16], [sflag:$0x1] =	stream.indirect.gather [hbm4b:s5+s6], $0x80, s15, s6, $0xb8;
	[tilespmem:$0x12280] =	vst v63  }
0x17: {  	_ =	swait.ge [sflag:s17], $0x3000  }
0x18: {  	[sflag:s17] =	ssyncset.done $0x0  }
0x19: {  	[sflag:s17] =	ssyncadd.s32 $0xFFFFD000  }
0x1a: {  	_ =	swait.ge [sflag:s17], $0x3000  }
0x1b: {  	[sflag:s17] =	ssyncset.done $0x0  }
0x1c: {  	[sflag:s17] =	ssyncadd.s32 $0xFFFFD000  }
0x1d: {  	_ =	swait.ge [sflag:s17], $0x3000  }
0x1e: {  	[sflag:s17] =	ssyncset.done $0x0  }
0x1f: {  	[sflag:s17] =	ssyncadd.s32 $0xFFFFD000  }
0x20: {  	_ =	swait.ge [sflag:s17], $0x3000  }
0x21: {  	[sflag:s17] =	ssyncset.done $0x0  }
0x22: {  	s18 =	ssub.s32 $0x2, s18;
	[sflag:s17] =	ssyncadd.s32 $0xFFFFD000  }
0x23: {  	s21 =	sshrl.u32 s18, $0x1;
	_ =	swait.ge [sflag:s17], $0x3000  }
0x24: {  	s30 =	ssub.s32 s18, s21;
	[sflag:s17] =	ssyncset.done $0x0  }
0x25: {  	s19 =	smul.u32 $0x2400, s19;
	s31 =	smax.u32 s30, $0x1;
	[sflag:s17] =	ssyncadd.s32 $0xFFFFD000  }
0x26: {  	p0 =	sne.s32 s31, $0x1;
	_ =	swait.ge [sflag:s17], $0x3000  }
.Ltmp0:
0x27: {  	s19 =	sadd.s32 s19, s20;
	[sflag:s17] =	ssyncset.done $0x0;
	(pc) =	sbr.rel @!p0 .LBB2_2-.Ltmp0, $4  }
0x28: {  	s18 =	sadd.s32 $0x54400, s19;
	[sflag:s17] =	ssyncadd.s32 $0xFFFFD000  }
0x29: {  	[hbm4b:s18+s2] =	stream.linear.scatter [tilespmem:s7], [sflag:$0x2], $0x12000, $0x38;
	[tilespmem:$0x12280] =	vst v63  }
0x2a: {  	_ =	swait.ge [sflag:s3], $0x12000  }
0x2b: {  	s19 =	sadd.s32 $0xFFFFFFFF, s31;
	[sflag:s3] =	ssyncset.done $0x0  }
.LBB2_1:
0x2c: {  	p0 =	sne.s32 s19, $0x1;
	s19 =	sadd.s32 $0xFFFFFFFF, s19;
	[sflag:s3] =	ssyncadd.s32 $0xFFFEE000  }
0x2d: {  	[tilespmem:s2], [sflag:$0x2] =	stream.linear.gather [hbm4b:s4+s2], $0x240, $0x38;
	[tilespmem:$0x12280] =	vst v63  }
0x2e: {  	_ =	swait.ge [sflag:s3], $0x240  }
0x2f: {  	[sflag:s3] =	ssyncset.done $0x0  }
0x30: {  	[sflag:s3] =	ssyncadd.s32 $0xFFFFFDC0  }
0x31: {  	[tilespmem:s7], [sflag:$0x1] =	stream.indirect.gather [hbm4b:s5+s6], $0x80, s2, s6, $0xb8;
	[tilespmem:$0x12280] =	vst v63  }
0x32: {  	_ = 	snop  }
0x33: {  	[tilespmem:s8], [sflag:$0x1] =	stream.indirect.gather [hbm4b:s5+s6], $0x80, s6, s6, $0xb8;
	[tilespmem:$0x12280] =	vst v63  }
0x34: {  	_ = 	snop  }
0x35: {  	[tilespmem:s10], [sflag:$0x1] =	stream.indirect.gather [hbm4b:s5+s6], $0x80, s9, s6, $0xb8;
	[tilespmem:$0x12280] =	vst v63  }
0x36: {  	_ = 	snop  }
0x37: {  	[tilespmem:s12], [sflag:$0x1] =	stream.indirect.gather [hbm4b:s5+s6], $0x80, s11, s6, $0xb8;
	[tilespmem:$0x12280] =	vst v63  }
0x38: {  	_ = 	snop  }
0x39: {  	[tilespmem:s14], [sflag:$0x1] =	stream.indirect.gather [hbm4b:s5+s6], $0x80, s13, s6, $0xb8;
	[tilespmem:$0x12280] =	vst v63  }
0x3a: {  	_ = 	snop  }
0x3b: {  	[tilespmem:s16], [sflag:$0x1] =	stream.indirect.gather [hbm4b:s5+s6], $0x80, s15, s6, $0xb8;
	[tilespmem:$0x12280] =	vst v63  }
0x3c: {  	_ =	swait.ge [sflag:s17], $0x3000  }
0x3d: {  	[sflag:s17] =	ssyncset.done $0x0  }
0x3e: {  	[sflag:s17] =	ssyncadd.s32 $0xFFFFD000  }
0x3f: {  	_ =	swait.ge [sflag:s17], $0x3000  }
0x40: {  	[sflag:s17] =	ssyncset.done $0x0  }
0x41: {  	[sflag:s17] =	ssyncadd.s32 $0xFFFFD000  }
0x42: {  	_ =	swait.ge [sflag:s17], $0x3000  }
0x43: {  	[sflag:s17] =	ssyncset.done $0x0  }
0x44: {  	[sflag:s17] =	ssyncadd.s32 $0xFFFFD000  }
0x45: {  	_ =	swait.ge [sflag:s17], $0x3000  }
0x46: {  	[sflag:s17] =	ssyncset.done $0x0  }
0x47: {  	[sflag:s17] =	ssyncadd.s32 $0xFFFFD000  }
0x48: {  	_ =	swait.ge [sflag:s17], $0x3000  }
0x49: {  	[sflag:s17] =	ssyncset.done $0x0  }
0x4a: {  	[sflag:s17] =	ssyncadd.s32 $0xFFFFD000  }
0x4b: {  	_ =	swait.ge [sflag:s17], $0x3000  }
.Ltmp1:
0x4c: {  	[sflag:s17] =	ssyncset.done $0x0;
	(pc) =	sbr.rel @p0 .LBB2_1-.Ltmp1, $4  }
0x4d: {  	[sflag:s17] =	ssyncadd.s32 $0xFFFFD000  }
0x4e: {  	[hbm4b:s18+s2] =	stream.linear.scatter [tilespmem:s7], [sflag:$0x2], $0x12000, $0x38;
	[tilespmem:$0x12280] =	vst v63  }
0x4f: {  	_ =	swait.ge [sflag:s3], $0x12000  }
0x50: {  	[sflag:s3] =	ssyncset.done $0x0  }
.LBB2_2:
0x51: {  	[sflag:s3] =	ssyncadd.s32 $0xFFFEE000  }
0x52: {  	_ =	sfence.sel $0x180000  }
0x53: {  	[bflag:$0x0] =	sbarrier.arrive $0xFFFF  }
0x54: {  	p0 =	sne.s32 s0, $0x0;
	_ =	strace $0x9000004A  }
0x55: {  	s0 =	sadd.s32 @!p0 $0x100000, s1;
	[bflag:$0x2] =	sbarrier.arrive $0xFFFF  }
0x56: {  	[sflag:s0] =	ssyncadd.tile.s32 @!p0 $0x1;
	_ =	shalt  }
.Lfunc_end2:
_tile_overlayer_lowered:
.L_overlay_start_2:
0x57: {  	(tag) =	ssettag $0x2  }
0x58: {  	s0 =	rddreg [dreg:$0x0];
	s2 =	stileid.u32  }
0x59: {  	s1 =	rddreg [dreg:$0x1];
	p0 =	sne.s32 s2, $0x0  }
0x5a: {  	s3 =	rddreg [dreg:$0x2];
	[bflag:$0x3] =	sbarrier.arrive $0xFFFF;
	s2 =	simm.s32 @!p0 $0x1C02  }
0x5b: {  	[timem:s3], [sflag:s2] =	dma.local @!p0 [hbm:s0], s1  }
0x5c: {  	s0 =	simm.s32 @!p0 $0x2  }
0x5d: {  	_ =	swait.ge @!p0 [sflag:s0], s1  }
0x5e: {  	s1 =	ssub.s32 @!p0 $0x0, s1;
	[sflag:s0] =	ssyncset.done @!p0 $0x0  }
0x5f: {  	[sflag:s0] =	ssyncadd.s32 @!p0 s1  }
0x60: {  	[bflag:$0x3] =	sbarrier.arrive $0xFFFF  }
0x61: {  	_ =	shalt  }

// kernel: kernel.8.cloned.1.call-start
scs
__scs_entry_jumppad:
0x0: {  	(pc) =	sbr.rel $0x88, $3  }
0x1: {  	(tag) =	ssettag $0x0;
	lr =	simm.s32 $0x1  }
0x2: {  	[smem:$0x3F79] =	sst lr;
	_ =	strace $0xD0000000  }
0x3: {  	_ = 	snop  }
0x4: {  	_ = 	snop  }
0x5: {  	_ = 	snop  }
0x6: {  	_ = 	snop  }
0x7: {  	_ = 	snop  }
__scs_overlays_trampoline_lowered:
0x8: {  	[smem:$0x3F88] =	sst s0  }
0x9: {  	[smem:$0x3F89] =	sst s1  }
0xa: {  	[smem:$0x3F8A] =	sst s2  }
0xb: {  	[smem:$0x3F8B] =	sst s3  }
0xc: {  	[smem:$0x3F8C] =	sst s4  }
0xd: {  	[smem:$0x3F8D] =	sst s5  }
0xe: {  	[smem:$0x3F8E] =	sst s6  }
0xf: {  	[smem:$0x3F8F] =	sst s7  }
0x10: {  	[smem:$0x3F90] =	sst s8  }
0x11: {  	[smem:$0x3F91] =	sst s9;
	s0 =	simm.s32 @!p0 $0x0  }
0x12: {  	s1 =	sld [smem:$0x3F77];
	s0 =	simm.s32 @p0 $0x1  }
0x13: {  	[smem:$0x3F92] =	sst s0;
	s0 =	simm.s32 @!p1 $0x0  }
0x14: {  	s2 =	sld [smem:$0x3F76];
	s0 =	simm.s32 @p1 $0x1  }
0x15: {  	[smem:$0x3F93] =	sst s0;
	s0 =	simm.s32 @!p2 $0x0  }
0x16: {  	s3 =	sld [smem:$0x3FDB];
	s0 =	simm.s32 @p2 $0x1  }
0x17: {  	s4 =	simm.s32 $0x1BF5;
	[smem:$0x3F95] =	sst s0  }
0x18: {  	s0 =	sld [smem:$0x3F78];
	_ =	swait.ge [sflag:s4], $0x0  }
0x19: {  	s7 =	sld [smem:$0x3F79]  }
0x1a: {  	s8 =	sadd.s32 $0xFFFFE003, lr  }
0x1b: {  	s9 =	sadd.s32 $0xFFFFFEF7, lr;
	s5 =	simm.s32 $0xFFFFFFFF;
	p2 =	slt.u32 s8, $0xFFFFF086  }
0x1c: {  	p1 =	slt.u32 s9, $0xF7A;
	s5 =	simm.s32 @!p2 $0x0  }
0x1d: {  	s5 =	simm.s32 @p1 $0x1;
	p0 =	seq.s32 s7, s2  }
0x1e: {  	s7 =	smul.u32 @!p0 $0xF7A, s2;
	p2 =	seq.s32 @!p0 s5, $0x0  }
0x1f: {  	s9 =	smul.u32 $0xF7A, s1;
	s8 =	simm.s32 @!p0 $0x1BF5;
	p2 =	por !p2, p0  }
0x20: {  	[sflag:s8] =	ssyncset.s32 @!p0 $0xFFFFF086;
	s6 =	sadd.s32 @!p0 s3, s7;
	s7 =	simm.s32 @!p0 $0x108  }
0x21: {  	s3 =	sadd.s32 s3, s9;
	s6 =	sadd.s32 @!p0 $0x88, s6;
	s7 =	simm.s32 @p2 $0x1082  }
0x22: {  	[simem:s7], [sflag:s8] =	dma.local @!p0 [hbm:s6], $0xF7A  }
0x23: {  	s9 =	sor.u32 $0xD0000000, s2;
	s6 =	simm.s32 $0x108;
	_ =	swait.ge @!p0 [sflag:s8], $0x0  }
0x24: {  	s3 =	sadd.s32 $0x88, s3;
	s6 =	simm.s32 @!p1 $0x1082;
	[sflag:s4] =	ssyncset.s32 $0xFFFFF086  }
0x25: {  	[simem:s6], [sflag:s4] =	dma.local [hbm:s3], $0xF7A  }
0x26: {  	[smem:$0x3F79] =	sst s1;
	(tag) =	ssettag s2;
	_ =	strace s9  }
0x27: {  	s1 =	sld [smem:$0x3F89]  }
0x28: {  	s2 =	sld [smem:$0x3F8A]  }
0x29: {  	s4 =	sld [smem:$0x3F8C]  }
0x2a: {  	p0 =	seq.s32 s5, $0x0;
	s5 =	sld [smem:$0x3F8D]  }
0x2b: {  	s6 =	sld [smem:$0x3F8E]  }
0x2c: {  	s7 =	sld [smem:$0x3F8F]  }
0x2d: {  	s3 =	simm.s32 $0x108;
	s8 =	sld [smem:$0x3F90]  }
0x2e: {  	s3 =	simm.s32 @!p0 $0x1082;
	s9 =	sld [smem:$0x3F91]  }
0x2f: {  	lr =	sadd.s32 s0, s3;
	s0 =	sld [smem:$0x3F88]  }
0x30: {  	s3 =	sld [smem:$0x3F8B]  }
0x31: {  	[smem:$0x3F94] =	sst s10  }
0x32: {  	s10 =	sld [smem:$0x3F92];
	_ =	sdelay $0x3  }
0x33: {  	p0 =	seq.s32 s10, $0x1;
	s10 =	sld [smem:$0x3F94];
	_ =	sdelay $0x3  }
0x34: {  	[smem:$0x3F94] =	sst s10  }
0x35: {  	s10 =	sld [smem:$0x3F93];
	_ =	sdelay $0x3  }
0x36: {  	p1 =	seq.s32 s10, $0x1;
	s10 =	sld [smem:$0x3F94];
	_ =	sdelay $0x3  }
0x37: {  	[smem:$0x3F94] =	sst s10  }
0x38: {  	s10 =	sld [smem:$0x3F95]  }
0x39: {  	_ = 	snop;
	(pc) =	sbr.ind lr, $3  }
0x3a: {  	_ = 	snop  }
0x3b: {  	_ = 	snop  }
0x3c: {  	p2 =	seq.s32 s10, $0x1;
	s10 =	sld [smem:$0x3F94]  }
0x3d: {  	_ =	shalt  }
0x3e: {  	_ =	shalt  }
0x3f: {  	_ =	shalt  }
0x40: {  	_ =	shalt  }
0x41: {  	_ =	shalt  }
0x42: {  	_ =	shalt  }
0x43: {  	_ =	shalt  }
0x44: {  	_ =	shalt  }
0x45: {  	_ =	shalt  }
0x46: {  	_ =	shalt  }
0x47: {  	_ =	shalt  }
0x48: {  	_ =	shalt  }
0x49: {  	_ =	shalt  }
0x4a: {  	_ =	shalt  }
0x4b: {  	_ =	shalt  }
0x4c: {  	_ =	shalt  }
0x4d: {  	_ =	shalt  }
0x4e: {  	_ =	shalt  }
0x4f: {  	_ =	shalt  }
0x50: {  	_ =	shalt  }
0x51: {  	_ =	shalt  }
0x52: {  	_ =	shalt  }
0x53: {  	_ =	shalt  }
0x54: {  	_ =	shalt  }
0x55: {  	_ =	shalt  }
0x56: {  	_ =	shalt  }
0x57: {  	_ =	shalt  }
0x58: {  	_ =	shalt  }
0x59: {  	_ =	shalt  }
0x5a: {  	_ =	shalt  }
0x5b: {  	_ =	shalt  }
0x5c: {  	_ =	shalt  }
0x5d: {  	_ =	shalt  }
0x5e: {  	_ =	shalt  }
0x5f: {  	_ =	shalt  }
0x60: {  	_ =	shalt  }
0x61: {  	_ =	shalt  }
0x62: {  	_ =	shalt  }
0x63: {  	_ =	shalt  }
0x64: {  	_ =	shalt  }
0x65: {  	_ =	shalt  }
0x66: {  	_ =	shalt  }
0x67: {  	_ =	shalt  }
0x68: {  	_ =	shalt  }
0x69: {  	_ =	shalt  }
0x6a: {  	_ =	shalt  }
0x6b: {  	_ =	shalt  }
0x6c: {  	_ =	shalt  }
0x6d: {  	_ =	shalt  }
0x6e: {  	_ =	shalt  }
0x6f: {  	_ =	shalt  }
0x70: {  	_ =	shalt  }
0x71: {  	_ =	shalt  }
0x72: {  	_ =	shalt  }
0x73: {  	_ =	shalt  }
0x74: {  	_ =	shalt  }
0x75: {  	_ =	shalt  }
0x76: {  	_ =	shalt  }
0x77: {  	_ =	shalt  }
0x78: {  	_ =	shalt  }
0x79: {  	_ =	shalt  }
0x7a: {  	_ =	shalt  }
0x7b: {  	_ =	shalt  }
0x7c: {  	_ =	shalt  }
0x7d: {  	_ =	shalt  }
0x7e: {  	_ =	shalt  }
0x7f: {  	_ =	shalt  }
0x80: {  	_ =	shalt  }
0x81: {  	_ =	shalt  }
0x82: {  	_ =	shalt  }
0x83: {  	_ =	shalt  }
0x84: {  	_ =	shalt  }
0x85: {  	_ =	shalt  }
0x86: {  	_ =	shalt  }
0x87: {  	_ =	shalt  }
.Lfunc_end0:
.L_simem_size_0:
called_computation_lowered:
.L_overlay_start_0:
0x88: {  	s2 =	sld [smem:$0x3FD9]  }
0x89: {  	s3 =	sld [smem:$0x3FFE];
	_ =	sdelay $0x1  }
0x8a: {  	s1 =	srdreg.scid  }
0x8b: {  	s0 =	sand.u32 $0x1, s1  }
0x8c: {  	s17 =	sshll.u32 s0, $0xA;
	s2 =	sadd.s32 s3, s2  }
0x8d: {  	s2 =	sadd.s32 s2, s17  }
0x8e: {  	[smem:$0x3FA0] =	sst s2  }
0x8f: {  	_ = 	snop  }
0x90: {  	s2 =	sld [smem:$0x3FD0];
	(tm) =	ssettm $0x1  }
0x91: {  	s18 =	sld [smem:$0x3FFB];
	_ =	sdelay $0x3  }
0x92: {  	_ =	strace s18  }
0x93: {  	s3 =	sld [smem:$0x3FFC];
	_ =	sdelay $0x3  }
0x94: {  	_ =	strace s3  }
0x95: {  	s3 =	sld [smem:$0x3FFD];
	_ =	sdelay $0x3  }
0x96: {  	_ =	strace s3  }
0x97: {  	_ =	strace $0x8FFFFFFF  }
0x98: {  	s19 =	sld [smem:$0x3FDB];
	_ =	sdelay $0x1  }
0x99: {  	s4 =	simm.s32 $_scs_section_size  }
0x9a: {  	s5 =	simm.s32 $_size__tile_overlayer_lowered;
	s6 =	simm.s32 $_tile_overlayer_lowered  }
0x9b: {  	s22 =	simm.s32 $0x1BFF;
	s21 =	sshll.u32 s6, $0x1;
	s3 =	sadd.s32 s4, s19  }
0x9c: {  	s7 =	simm.s32 $0x0;
	s20 =	sshll.u32 s5, $0x1;
	s5 =	sadd.s32 s21, s3  }
0x9d: {  	[timem:s7], [sflag:s22] =	dma.local [hbm:s5], s20  }
0x9e: {  	_ =	swait.ge [sflag:s22], s20  }
0x9f: {  	s4 =	ssub.s32 $0x0, s20;
	[sflag:s22] =	ssyncset.done $0x0  }
0xa0: {  	[sflag:s22] =	ssyncadd.s32 s4;
	_ =	sdelay $0x1  }
0xa1: {  	s23 =	simm.s32 $0x1B8B  }
0xa2: {  	_ =	swait.ge [sflag:s23], $0x1  }
0xa3: {  	[sflag:s23] =	ssyncset.done $0x0  }
0xa4: {  	s25 =	simm.s32 $0x1B8E;
	s24 =	sld [smem:$0x3FFE];
	[sflag:s23] =	ssyncadd.s32 $0xFFFFFFFF  }
0xa5: {  	s26 =	simm.s32 $execute0_lowered;
	[smem:$0x3FD2] =	sst s25  }
0xa6: {  	s5 =	sshll.u32 s26, $0x1;
	_ =	strace $0x80000046;
	[dreg:$0x1] =	wrdreg $0xFFFFFFFF  }
0xa7: {  	s28 =	simm.s32 $_size_execute0_lowered;
	s3 =	sadd.s32 s3, s5;
	[dreg:$0x0] =	wrdreg $0x0  }
0xa8: {  	s5 =	sshll.u32 s28, $0x1;
	[dreg:$0x2] =	wrdreg s3  }
0xa9: {  	[dreg:$0x3] =	wrdreg s5  }
0xaa: {  	[dreg:$0x4] =	wrdreg $0xC0  }
0xab: {  	_ =	task [dreg:s7], $0x5FFFF  }
0xac: {  	[dreg:$0x1] =	wrdreg $0xFFFFFFFF  }
0xad: {  	[dreg:$0x0] =	wrdreg $0x60  }
0xae: {  	[dreg:$0x2] =	wrdreg s2  }
0xaf: {  	[dreg:$0x3] =	wrdreg s24  }
0xb0: {  	[dreg:$0x4] =	wrdreg $0x9  }
0xb1: {  	_ =	task.clear_ibuf [dreg:s7], $0x5FFFF;
	_ =	strace $0x90000046  }
0xb2: {  	s29 =	simm.s32 $0x9;
	_ =	strace $0x80000048  }
0xb3: {  	_ =	swait.ge [sflag:s29], $0x1  }
0xb4: {  	[sflag:s29] =	ssyncadd.s32 $0xFFFFFFFF  }
0xb5: {  	_ =	strace $0x90000048  }
0xb6: {  	_ =	sfence  }
0xb7: {  	s30 =	sld [smem:$0x0];
	_ =	sdelay $0x2  }
0xb8: {  	s31 =	sshll.u32 s1, $0xD;
	s1 =	sshrl.u32 s1, $0x2  }
0xb9: {  	s3 =	sand.u32 $0x4000, s31;
	s1 =	sadd.s32 s1, s30  }
0xba: {  	s0 =	sor.u32 s3, s0;
	s1 =	sshll.u32 s1, $0x11  }
0xbb: {  	s0 =	sor.u32 s1, s0  }
0xbc: {  	s0 =	sadd.s32 $0x8F2B, s0  }
0xbd: {  	[sflag:s0] =	ssyncadd.remote.s32 $0x1  }
0xbe: {  	_ =	sfence.sel $0xFFFF  }
0xbf: {  	[dreg:$0x0] =	wrdreg $0xFFFFFFFF;
	(pc) =	sbr.abs _section_cstart, $3  }
0xc0: {  	[dreg:$0x1] =	wrdreg $0xFFFFFFFF  }
0xc1: {  	_ =	task.clear_ibuf [dreg:s7], $0x2FFFF;
	_ =	strace $0x9FFFFFFF  }
0xc2: {  	(tm) =	ssettm $0x7FFFFFFF  }
0xc3: {  	_ =	shalt  }
tec
execute0_lowered:
.L_overlay_start_1:
0x0: {  	(tag) =	ssettag $0x1  }
0x1: {  	s1 =	srdreg.scid;
	s0 =	stileid.u32  }
0x2: {  	s18 =	sand.u32 $0x1, s1;
	s29 =	sshll.u32 s0, $0x1  }
0x3: {  	s2 =	rddreg [dreg:$0x0];
	s19 =	sor.u32 s18, s29  }
0x4: {  	s20 =	rddreg [dreg:$0x1];
	s4 =	smul.u32 $0x48, s19  }
0x5: {  	s3 =	simm.s32 $0x0;
	s1 =	rddreg [dreg:$0x2]  }
0x6: {  	[smem:$0x7FF] =	sst s3;
	s4 =	sadd.s32 s4, s20  }
0x7: {  	_ =	strace $0x80000047;
	s5 =	sadd.s32 $0x7000, s4;
	s4 =	simm.s32 $0x2  }
0x8: {  	[tilespmem:s3], [sflag:$0x2] =	stream.linear.gather [hbm4b:s5+s3], $0x240, $0x38;
	[tilespmem:$0x12280] =	vst v63  }
0x9: {  	_ =	swait.ge [sflag:s4], $0x240  }
0xa: {  	[sflag:s4] =	ssyncset.done $0x0  }
0xb: {  	s6 =	simm.s32 $0x60;
	s7 =	simm.s32 $0x280;
	[sflag:s4] =	ssyncadd.s32 $0xFFFFFDC0  }
0xc: {  	[tilespmem:s7], [sflag:$0x1] =	stream.indirect.gather [hbm4b:s2+s6], $0x80, s3, s6, $0xb8;
	[tilespmem:$0x12280] =	vst v63  }
0xd: {  	s8 =	simm.s32 $0x3280  }
0xe: {  	[tilespmem:s8], [sflag:$0x1] =	stream.indirect.gather [hbm4b:s2+s6], $0x80, s6, s6, $0xb8;
	[tilespmem:$0x12280] =	vst v63  }
0xf: {  	s9 =	simm.s32 $0xC0;
	s10 =	simm.s32 $0x6280  }
0x10: {  	[tilespmem:s10], [sflag:$0x1] =	stream.indirect.gather [hbm4b:s2+s6], $0x80, s9, s6, $0xb8;
	[tilespmem:$0x12280] =	vst v63  }
0x11: {  	s11 =	simm.s32 $0x120;
	s12 =	simm.s32 $0x9280  }
0x12: {  	[tilespmem:s12], [sflag:$0x1] =	stream.indirect.gather [hbm4b:s2+s6], $0x80, s11, s6, $0xb8;
	[tilespmem:$0x12280] =	vst v63  }
0x13: {  	s13 =	simm.s32 $0x180;
	s14 =	simm.s32 $0xC280  }
0x14: {  	[tilespmem:s14], [sflag:$0x1] =	stream.indirect.gather [hbm4b:s2+s6], $0x80, s13, s6, $0xb8;
	[tilespmem:$0x12280] =	vst v63  }
0x15: {  	s15 =	simm.s32 $0x1E0;
	s16 =	simm.s32 $0xF280;
	s17 =	simm.s32 $0x1  }
0x16: {  	[tilespmem:s16], [sflag:$0x1] =	stream.indirect.gather [hbm4b:s2+s6], $0x80, s15, s6, $0xb8;
	[tilespmem:$0x12280] =	vst v63  }
0x17: {  	_ =	swait.ge [sflag:s17], $0x3000  }
0x18: {  	[sflag:s17] =	ssyncset.done $0x0  }
0x19: {  	[sflag:s17] =	ssyncadd.s32 $0xFFFFD000  }
0x1a: {  	_ =	swait.ge [sflag:s17], $0x3000  }
0x1b: {  	[sflag:s17] =	ssyncset.done $0x0  }
0x1c: {  	[sflag:s17] =	ssyncadd.s32 $0xFFFFD000  }
0x1d: {  	_ =	swait.ge [sflag:s17], $0x3000  }
0x1e: {  	[sflag:s17] =	ssyncset.done $0x0  }
0x1f: {  	[sflag:s17] =	ssyncadd.s32 $0xFFFFD000  }
0x20: {  	_ =	swait.ge [sflag:s17], $0x3000  }
0x21: {  	[sflag:s17] =	ssyncset.done $0x0  }
0x22: {  	s18 =	ssub.s32 $0x2, s18;
	[sflag:s17] =	ssyncadd.s32 $0xFFFFD000  }
0x23: {  	s21 =	sshrl.u32 s18, $0x1;
	_ =	swait.ge [sflag:s17], $0x3000  }
0x24: {  	s30 =	ssub.s32 s18, s21;
	[sflag:s17] =	ssyncset.done $0x0  }
0x25: {  	s19 =	smul.u32 $0x2400, s19;
	s31 =	smax.u32 s30, $0x1;
	[sflag:s17] =	ssyncadd.s32 $0xFFFFD000  }
0x26: {  	p0 =	sne.s32 s31, $0x1;
	_ =	swait.ge [sflag:s17], $0x3000  }
.Ltmp0:
0x27: {  	s19 =	sadd.s32 s19, s20;
	[sflag:s17] =	ssyncset.done $0x0;
	(pc) =	sbr.rel @!p0 .LBB2_2-.Ltmp0, $4  }
0x28: {  	s18 =	sadd.s32 $0xBA00, s19;
	[sflag:s17] =	ssyncadd.s32 $0xFFFFD000  }
0x29: {  	[hbm4b:s18+s3] =	stream.linear.scatter [tilespmem:s7], [sflag:$0x2], $0x12000, $0x38;
	[tilespmem:$0x12280] =	vst v63  }
0x2a: {  	_ =	swait.ge [sflag:s4], $0x12000  }
0x2b: {  	s19 =	sadd.s32 $0xFFFFFFFF, s31;
	[sflag:s4] =	ssyncset.done $0x0  }
.LBB2_1:
0x2c: {  	p0 =	sne.s32 s19, $0x1;
	s19 =	sadd.s32 $0xFFFFFFFF, s19;
	[sflag:s4] =	ssyncadd.s32 $0xFFFEE000  }
0x2d: {  	[tilespmem:s3], [sflag:$0x2] =	stream.linear.gather [hbm4b:s5+s3], $0x240, $0x38;
	[tilespmem:$0x12280] =	vst v63  }
0x2e: {  	_ =	swait.ge [sflag:s4], $0x240  }
0x2f: {  	[sflag:s4] =	ssyncset.done $0x0  }
0x30: {  	[sflag:s4] =	ssyncadd.s32 $0xFFFFFDC0  }
0x31: {  	[tilespmem:s7], [sflag:$0x1] =	stream.indirect.gather [hbm4b:s2+s6], $0x80, s3, s6, $0xb8;
	[tilespmem:$0x12280] =	vst v63  }
0x32: {  	_ = 	snop  }
0x33: {  	[tilespmem:s8], [sflag:$0x1] =	stream.indirect.gather [hbm4b:s2+s6], $0x80, s6, s6, $0xb8;
	[tilespmem:$0x12280] =	vst v63  }
0x34: {  	_ = 	snop  }
0x35: {  	[tilespmem:s10], [sflag:$0x1] =	stream.indirect.gather [hbm4b:s2+s6], $0x80, s9, s6, $0xb8;
	[tilespmem:$0x12280] =	vst v63  }
0x36: {  	_ = 	snop  }
0x37: {  	[tilespmem:s12], [sflag:$0x1] =	stream.indirect.gather [hbm4b:s2+s6], $0x80, s11, s6, $0xb8;
	[tilespmem:$0x12280] =	vst v63  }
0x38: {  	_ = 	snop  }
0x39: {  	[tilespmem:s14], [sflag:$0x1] =	stream.indirect.gather [hbm4b:s2+s6], $0x80, s13, s6, $0xb8;
	[tilespmem:$0x12280] =	vst v63  }
0x3a: {  	_ = 	snop  }
0x3b: {  	[tilespmem:s16], [sflag:$0x1] =	stream.indirect.gather [hbm4b:s2+s6], $0x80, s15, s6, $0xb8;
	[tilespmem:$0x12280] =	vst v63  }
0x3c: {  	_ =	swait.ge [sflag:s17], $0x3000  }
0x3d: {  	[sflag:s17] =	ssyncset.done $0x0  }
0x3e: {  	[sflag:s17] =	ssyncadd.s32 $0xFFFFD000  }
0x3f: {  	_ =	swait.ge [sflag:s17], $0x3000  }
0x40: {  	[sflag:s17] =	ssyncset.done $0x0  }
0x41: {  	[sflag:s17] =	ssyncadd.s32 $0xFFFFD000  }
0x42: {  	_ =	swait.ge [sflag:s17], $0x3000  }
0x43: {  	[sflag:s17] =	ssyncset.done $0x0  }
0x44: {  	[sflag:s17] =	ssyncadd.s32 $0xFFFFD000  }
0x45: {  	_ =	swait.ge [sflag:s17], $0x3000  }
0x46: {  	[sflag:s17] =	ssyncset.done $0x0  }
0x47: {  	[sflag:s17] =	ssyncadd.s32 $0xFFFFD000  }
0x48: {  	_ =	swait.ge [sflag:s17], $0x3000  }
0x49: {  	[sflag:s17] =	ssyncset.done $0x0  }
0x4a: {  	[sflag:s17] =	ssyncadd.s32 $0xFFFFD000  }
0x4b: {  	_ =	swait.ge [sflag:s17], $0x3000  }
.Ltmp1:
0x4c: {  	[sflag:s17] =	ssyncset.done $0x0;
	(pc) =	sbr.rel @p0 .LBB2_1-.Ltmp1, $4  }
0x4d: {  	[sflag:s17] =	ssyncadd.s32 $0xFFFFD000  }
0x4e: {  	[hbm4b:s18+s3] =	stream.linear.scatter [tilespmem:s7], [sflag:$0x2], $0x12000, $0x38;
	[tilespmem:$0x12280] =	vst v63  }
0x4f: {  	_ =	swait.ge [sflag:s4], $0x12000  }
0x50: {  	[sflag:s4] =	ssyncset.done $0x0  }
.LBB2_2:
0x51: {  	[sflag:s4] =	ssyncadd.s32 $0xFFFEE000  }
0x52: {  	_ =	sfence.sel $0x180000  }
0x53: {  	[bflag:$0x0] =	sbarrier.arrive $0xFFFF  }
0x54: {  	p0 =	sne.s32 s0, $0x0;
	_ =	strace $0x90000047  }
0x55: {  	s0 =	sadd.s32 @!p0 $0x100000, s1;
	[bflag:$0x2] =	sbarrier.arrive $0xFFFF  }
0x56: {  	[sflag:s0] =	ssyncadd.tile.s32 @!p0 $0x1;
	_ =	shalt  }
.Lfunc_end2:
_tile_overlayer_lowered:
.L_overlay_start_2:
0x57: {  	(tag) =	ssettag $0x2  }
0x58: {  	s0 =	rddreg [dreg:$0x0];
	s2 =	stileid.u32  }
0x59: {  	s1 =	rddreg [dreg:$0x1];
	p0 =	sne.s32 s2, $0x0  }
0x5a: {  	s3 =	rddreg [dreg:$0x2];
	[bflag:$0x3] =	sbarrier.arrive $0xFFFF;
	s2 =	simm.s32 @!p0 $0x1C02  }
0x5b: {  	[timem:s3], [sflag:s2] =	dma.local @!p0 [hbm:s0], s1  }
0x5c: {  	s0 =	simm.s32 @!p0 $0x2  }
0x5d: {  	_ =	swait.ge @!p0 [sflag:s0], s1  }
0x5e: {  	s1 =	ssub.s32 @!p0 $0x0, s1;
	[sflag:s0] =	ssyncset.done @!p0 $0x0  }
0x5f: {  	[sflag:s0] =	ssyncadd.s32 @!p0 s1  }
0x60: {  	[bflag:$0x3] =	sbarrier.arrive $0xFFFF  }
0x61: {  	_ =	shalt  }

</sc_bundles>
